<compile_context>
chip_gen: v7x
topology: tpu7x:2x2x1
jax: 0.10.2.dev20260603
libtpu: 0.0.44.dev20260713+nightly
codegen_flags: <defaults>
</compile_context>

<pallas_src>
import math

import jax
import jax.numpy as jnp
from jax import lax
from jax.experimental import pallas as pl
from jax.experimental.pallas import tpu as pltpu
from jax.experimental.pallas import tpu_sc as plsc

N = 10000
E = 320000
H = 128
EF = 20
ET = 3
B = 16
NC = 20
NCAND = B * NC
NCORES = 2
NSUB = 16
NW = NCORES * NSUB
EPW = E // NW
CH = 32
UN = 5
ISQ = 1.0 / math.sqrt(H)



def _proj_body(x_ref, wl_ref, bl_ref, wr_ref, br_ref, embp_ref, wep_ref,
               be_ref, q_ref, k_ref, k2_ref):
    x = x_ref[...]
    dn = (((1,), (1,)), ((), ()))
    q = lax.dot_general(x, wl_ref[...], dn, preferred_element_type=jnp.float32)
    q_ref[...] = (q + bl_ref[...]) * ISQ
    k = lax.dot_general(x, wr_ref[...], dn, preferred_element_type=jnp.float32)
    k_ref[...] = k + br_ref[...]

    @pl.when(pl.program_id(0) == 0)
    def _():
        ef = jax.nn.gelu(embp_ref[...])
        k2 = lax.dot_general(ef, wep_ref[...], dn,
                             preferred_element_type=jnp.float32)
        k2_ref[...] = k2 + be_ref[...]


def _tc_proj(h, Wl, bl, Wr, br, emb_p, We_p, be):
    grid = 10
    rows = N // grid
    return pl.pallas_call(
        _proj_body,
        grid=(grid,),
        in_specs=[
            pl.BlockSpec((rows, H), lambda i: (i, 0)),
            pl.BlockSpec((H, H), lambda i: (0, 0)),
            pl.BlockSpec((1, H), lambda i: (0, 0)),
            pl.BlockSpec((H, H), lambda i: (0, 0)),
            pl.BlockSpec((1, H), lambda i: (0, 0)),
            pl.BlockSpec((8, 32), lambda i: (0, 0)),
            pl.BlockSpec((H, 32), lambda i: (0, 0)),
            pl.BlockSpec((1, H), lambda i: (0, 0)),
        ],
        out_specs=[
            pl.BlockSpec((rows, H), lambda i: (i, 0)),
            pl.BlockSpec((rows, H), lambda i: (i, 0)),
            pl.BlockSpec((8, H), lambda i: (0, 0)),
        ],
        out_shape=[
            jax.ShapeDtypeStruct((N, H), jnp.float32),
            jax.ShapeDtypeStruct((N, H), jnp.float32),
            jax.ShapeDtypeStruct((8, H), jnp.float32),
        ],
    )(h, Wl, bl, Wr, br, emb_p, We_p, be)



def _sc_body(dst_h, src_h, et_h, cand_h, scores_h, q_h, k1_h, k2_h,
             s_out, w_out, smap_out,
             dst_sh, src_sh, et_sh, slot_t, scores_v, cand_v, k2_v, q_cand,
             srcc, sec, k1rows,
             s_v, w_v, smap_v, sem_a, sem_s, sem_q, sem_k0, sem_k1):
    wid = lax.axis_index("s") * NCORES + lax.axis_index("c")
    lane = lax.iota(jnp.int32, 16)
    zeros_i = jnp.zeros((16,), jnp.int32)
    zeros_f = jnp.zeros((16,), jnp.float32)
    base = wid * EPW

    cp_d = pltpu.make_async_copy(dst_h.at[pl.ds(base, EPW)], dst_sh, sem_a)
    cp_s = pltpu.make_async_copy(src_h.at[pl.ds(base, EPW)], src_sh, sem_a)
    cp_e = pltpu.make_async_copy(et_h.at[pl.ds(base, EPW)], et_sh, sem_a)
    cp_sc = pltpu.make_async_copy(scores_h, scores_v, sem_s)
    cp_d.start()
    cp_s.start()
    cp_e.start()
    cp_sc.start()
    pltpu.sync_copy(cand_h, cand_v)
    pltpu.sync_copy(k2_h.at[pl.ds(0, 4)], k2_v)

    cq0 = pltpu.make_async_copy(q_h.at[cand_v.at[pl.ds(0, 128)]],
                                q_cand.at[pl.ds(0, 128)], sem_q)
    cq1 = pltpu.make_async_copy(q_h.at[cand_v.at[pl.ds(128, 128)]],
                                q_cand.at[pl.ds(128, 128)], sem_q)
    cq2 = pltpu.make_async_copy(q_h.at[cand_v.at[pl.ds(256, 64)]],
                                q_cand.at[pl.ds(256, 64)], sem_q)
    cq0.start()
    cq1.start()
    cq2.start()

    neg1 = jnp.full((16,), -1, jnp.int32)

    def init_body(i, _):
        for u in range(UN):
            slot_t[pl.ds((i * UN + u) * 16, 16)] = neg1
        return 0

    lax.fori_loop(0, N // (16 * UN), init_body, 0)

    def zacc_body(i, _):
        s_v[i] = zeros_f
        w_v[i] = zeros_f
        return 0

    lax.fori_loop(0, NCAND // 16, zacc_body, 0)

    def slot_body(i, _):
        c16 = cand_v[pl.ds(i * 16, 16)]
        plsc.store_scatter(slot_t, [c16], i * 16 + lane)
        return 0

    lax.fori_loop(0, NCAND // 16, slot_body, 0)

    cp_d.wait()
    cp_s.wait()
    cp_e.wait()

    def j_body(j, off_v):
        for u in range(UN):
            sl = pl.ds((j * UN + u) * 16, 16)
            d = dst_sh[sl]
            s = plsc.load_gather(slot_t, [d])
            m = s >= 0
            pos = off_v + plsc.cumsum(jnp.where(m, 1, 0)) - 1
            se = s + lax.shift_left(et_sh[sl], 9)
            plsc.store_scatter(srcc, [pos], src_sh[sl], mask=m)
            plsc.store_scatter(sec, [pos], se, mask=m)
            off_v = off_v + plsc.all_reduce_population_count(m)
        return off_v

    off_v = lax.fori_loop(0, EPW // (16 * UN), j_body,
                          jnp.zeros((16,), jnp.int32))
    cnt = off_v[0]

    def tail_body(i, _):
        sl = pl.ds(cnt + i * 16, 16)
        srcc[sl] = zeros_i
        sec[sl] = zeros_i
        return 0

    lax.fori_loop(0, CH // 16, tail_body, 0)

    cp_sc.wait()
    cq0.wait()
    cq1.wait()
    cq2.wait()

    nch = (cnt + CH - 1) // CH

    def start_chunk(g, sk, par):
        pltpu.make_async_copy(k1_h.at[srcc.at[pl.ds(g * CH, CH)]],
                              k1rows.at[pl.ds(par * CH, CH)], sk).start()

    def wait_chunk(g, sk, par):
        pltpu.make_async_copy(k1_h.at[srcc.at[pl.ds(g * CH, CH)]],
                              k1rows.at[pl.ds(par * CH, CH)], sk).wait()

    @pl.when(nch > 0)
    def _():
        start_chunk(0, sem_k0, 0)

    @pl.when(nch > 1)
    def _():
        start_chunk(1, sem_k1, 1)

    def g_body(g, _):
        par = lax.rem(g, 2)

        @pl.when(par == 0)
        def _():
            wait_chunk(g, sem_k0, 0)

        @pl.when(par == 1)
        def _():
            wait_chunk(g, sem_k1, 1)

        def grp_body(gg, _):
            eb = g * CH + gg * 16
            sl = pl.ds(eb, 16)
            se16 = sec[sl]
            s16 = srcc[sl]
            slot16 = lax.bitwise_and(se16, 511)
            et16 = lax.shift_right_logical(se16, 9)
            m = (eb + lane) < cnt
            row16 = par * CH + gg * 16 + lane

            def c_body(c8, acc):
                for u in range(16):
                    cvec = zeros_i + (c8 * 16 + u)
                    qc = plsc.load_gather(q_cand, [slot16, cvec])
                    kc = plsc.load_gather(k1rows, [row16, cvec])
                    k2c = plsc.load_gather(k2_v, [et16, cvec])
                    acc = acc + qc * (kc + k2c)
                return acc

            acc = lax.fori_loop(0, H // 16, c_body, zeros_f)
            ex = jnp.where(m, jnp.exp(acc), 0.0)
            ss = plsc.load_gather(scores_v, [s16])
            hi = lax.shift_right_logical(slot16, 4)
            lo = lax.bitwise_and(slot16, 15)
            plsc.addupdate_scatter(s_v, [hi, lo], ex, mask=m)
            plsc.addupdate_scatter(w_v, [hi, lo], ss * ex, mask=m)
            return 0

        lax.fori_loop(0, CH // 16, grp_body, 0)

        @pl.when(g + 2 < nch)
        def _():

            @pl.when(par == 0)
            def _():
                start_chunk(g + 2, sem_k0, 0)

            @pl.when(par == 1)
            def _():
                start_chunk(g + 2, sem_k1, 1)

        return 0

    lax.fori_loop(0, nch, g_body, 0)

    pltpu.sync_copy(s_v, s_out.at[wid])
    pltpu.sync_copy(w_v, w_out.at[wid])

    @pl.when(wid == 0)
    def _():
        def sm_body(i, _):
            c16 = cand_v[pl.ds(i * 16, 16)]
            smap_v[pl.ds(i * 16, 16)] = plsc.load_gather(slot_t, [c16])
            return 0

        lax.fori_loop(0, NCAND // 16, sm_body, 0)
        pltpu.sync_copy(smap_v, smap_out)


def _sc_main(dst, src, et, cand_flat, scores_flat, q, k1, k2p):
    mesh = plsc.VectorSubcoreMesh(core_axis_name="c", subcore_axis_name="s",
                                  num_cores=NCORES, num_subcores=NSUB)
    f = pl.kernel(
        _sc_body,
        out_type=[
            jax.ShapeDtypeStruct((NW, NCAND // 16, 16), jnp.float32),
            jax.ShapeDtypeStruct((NW, NCAND // 16, 16), jnp.float32),
            jax.ShapeDtypeStruct((NCAND,), jnp.int32),
        ],
        mesh=mesh,
        scratch_types=[
            pltpu.VMEM((EPW,), jnp.int32),
            pltpu.VMEM((EPW,), jnp.int32),
            pltpu.VMEM((EPW,), jnp.int32),
            pltpu.VMEM((N,), jnp.int32),
            pltpu.VMEM((N,), jnp.float32),
            pltpu.VMEM((NCAND,), jnp.int32),
            pltpu.VMEM((4, H), jnp.float32),
            pltpu.VMEM((NCAND, H), jnp.float32),
            pltpu.VMEM((EPW + CH,), jnp.int32),
            pltpu.VMEM((EPW + CH,), jnp.int32),
            pltpu.VMEM((2 * CH, H), jnp.float32),
            pltpu.VMEM((NCAND // 16, 16), jnp.float32),
            pltpu.VMEM((NCAND // 16, 16), jnp.float32),
            pltpu.VMEM((NCAND,), jnp.int32),
            pltpu.SemaphoreType.DMA,
            pltpu.SemaphoreType.DMA,
            pltpu.SemaphoreType.DMA,
            pltpu.SemaphoreType.DMA,
            pltpu.SemaphoreType.DMA,
        ],
        compiler_params=pltpu.CompilerParams(needs_layout_passes=False),
    )
    return f(dst, src, et, cand_flat, scores_flat, q, k1, k2p)



def _combine_body(sp_ref, wp_ref, smap_ref, lab_ref, lf_ref, loss_ref):
    s = jnp.sum(sp_ref[...], axis=0, keepdims=True)
    w = jnp.sum(wp_ref[...], axis=0, keepdims=True)
    safe = jnp.where(s > 0, s, 1.0)
    upd = jnp.where(s > 0, w / safe, 0.0)
    ids = lax.broadcasted_iota(jnp.int32, (NCAND, NCAND), 1)
    oh = (smap_ref[...] == ids).astype(jnp.float32)
    xf = lax.dot_general(upd, oh, (((1,), (1,)), ((), ())),
                         precision=lax.Precision.HIGHEST,
                         preferred_element_type=jnp.float32)
    lf_ref[...] = xf

    gids = lax.broadcasted_iota(jnp.int32, (B, NCAND), 1) // NC
    rows = lax.broadcasted_iota(jnp.int32, (B, NCAND), 0)
    gmask = gids == rows
    xb = jnp.broadcast_to(xf, (B, NCAND))
    x2 = jnp.where(gmask, xb, -1e30)
    m = jnp.max(x2, axis=1, keepdims=True)
    lse = jnp.log(jnp.sum(jnp.exp(x2 - m), axis=1, keepdims=True)) + m
    cids = lax.broadcasted_iota(jnp.int32, (B, NCAND), 1) % NC
    pick = gmask & (cids == lab_ref[...])
    picked = jnp.sum(jnp.where(pick, xb, 0.0), axis=1, keepdims=True)
    loss_ref[...] = jnp.sum(lse - picked).reshape(1, 1)


def _tc_combine(s_part, w_part, smap, label):
    return pl.pallas_call(
        _combine_body,
        out_shape=[
            jax.ShapeDtypeStruct((1, NCAND), jnp.float32),
            jax.ShapeDtypeStruct((1, 1), jnp.float32),
        ],
    )(s_part, w_part, smap, label.reshape(B, 1))



def kernel(embedding, scores, edge_index, edge_type, cand_idx, label,
           Wl, bl, Wr, br, We, be, emb_table):
    emb_p = jnp.zeros((8, 32), jnp.float32).at[:ET, :EF].set(emb_table)
    We_p = jnp.zeros((H, 32), jnp.float32).at[:, :EF].set(We)
    q, k1, k2p = _tc_proj(embedding, Wl, bl.reshape(1, H), Wr,
                          br.reshape(1, H), emb_p, We_p, be.reshape(1, H))

    src = edge_index[0]
    dst = edge_index[1]
    cand_flat = cand_idx.reshape(NCAND)
    scores_flat = scores.reshape(N)

    s_part, w_part, smap = _sc_main(dst, src, edge_type, cand_flat,
                                    scores_flat, q, k1, k2p)

    logits_flat, loss = _tc_combine(s_part.reshape(NW, NCAND),
                                    w_part.reshape(NW, NCAND),
                                    smap.reshape(NCAND, 1), label)
    logits = logits_flat.reshape(B, NC)
    return loss[0, 0], logits

# --- scband reference (transcript-rebuilt; emitter-appended) ---
"""Pipeline reference for scband-simple-label-propagation-no-bert-83897891160442 (READ-ONLY COPY).

The authoritative reference and input builder live on the scoring server;
editing this copy changes nothing except your own understanding.
"""

import jax, jax.numpy as jnp
import numpy as np
import math

N = 10000
E = 320000
H = 128
EF = 20
ET = 3
B = 16
NC = 20


def setup_inputs(seed: int = 0) -> dict:
    key = jax.random.key(seed)
    ks = jax.random.split(key, 13)
    embedding = jax.random.normal(ks[0], (N, H), dtype=jnp.float32)
    scores = jax.random.normal(ks[1], (N, 1), dtype=jnp.float32)
    edge_index = jax.random.randint(ks[2], (2, E), 0, N, dtype=jnp.int32)
    edge_type = jax.random.randint(ks[3], (E,), 0, ET, dtype=jnp.int32)
    cand_idx = jax.random.randint(ks[4], (B, NC), 0, N, dtype=jnp.int32)
    label = jax.random.randint(ks[5], (B,), 0, NC, dtype=jnp.int32)
    s = 1.0 / math.sqrt(H)
    Wl = jax.random.uniform(ks[6], (H, H), minval=-s, maxval=s, dtype=jnp.float32)
    bl = jax.random.uniform(ks[7], (H,), minval=-s, maxval=s, dtype=jnp.float32)
    Wr = jax.random.uniform(ks[8], (H, H), minval=-s, maxval=s, dtype=jnp.float32)
    br = jax.random.uniform(ks[9], (H,), minval=-s, maxval=s, dtype=jnp.float32)
    se = 1.0 / math.sqrt(EF)
    We = jax.random.uniform(ks[10], (H, EF), minval=-se, maxval=se, dtype=jnp.float32)
    be = jax.random.uniform(ks[11], (H,), minval=-se, maxval=se, dtype=jnp.float32)
    emb_table = jax.random.normal(ks[12], (ET, EF), dtype=jnp.float32)
    return {"embedding": embedding, "scores": scores, "edge_index": edge_index,
            "edge_type": edge_type, "cand_idx": cand_idx, "label": label,
            "Wl": Wl, "bl": bl, "Wr": Wr, "br": br, "We": We, "be": be,
            "emb_table": emb_table}


def reference(embedding, scores, edge_index, edge_type, cand_idx, label,
              Wl, bl, Wr, br, We, be, emb_table):
    # dropout is identity at eval (drop=0.0)
    h = embedding
    # edge type embedding -> GELU feat activation
    edge_type_feat = jax.nn.gelu(jnp.take(emb_table, edge_type, axis=0))  # [E, EF]
    attn_q = h @ Wl.T + bl          # [N, H]
    attn_k_1 = h @ Wr.T + br        # [N, H]
    attn_k_2 = edge_type_feat @ We.T + be  # [E, H]
    src = edge_index[0]
    dst = edge_index[1]
    # u_add_e: attn_k = attn_k_1[src] + attn_k_2
    attn_k = jnp.take(attn_k_1, src, axis=0) + attn_k_2  # [E, H]
    # v_dot_e: alpha = <attn_q[dst], attn_k>
    alpha = jnp.sum(jnp.take(attn_q, dst, axis=0) * attn_k, axis=-1)  # [E]
    scaled_alpha = alpha / math.sqrt(H)
    # edge_softmax over incoming edges of each dst node
    seg_max = jax.ops.segment_max(scaled_alpha, dst, num_segments=N)
    ex = jnp.exp(scaled_alpha - jnp.take(seg_max, dst, axis=0))
    seg_sum = jax.ops.segment_sum(ex, dst, num_segments=N)
    a = ex / jnp.take(seg_sum, dst, axis=0)  # [E]
    # update_all: updated_scores[dst] = sum_e scores[src] * a
    a_scores = jnp.take(scores, src, axis=0) * a[:, None]  # [E, 1]
    updated_scores = jax.ops.segment_sum(a_scores, dst, num_segments=N)  # [N, 1]
    # per-graph candidate scores and cross-entropy (summed over graphs)
    logits = jnp.take(updated_scores[:, 0], cand_idx.reshape(-1), axis=0).reshape(B, NC)
    logp = jax.nn.log_softmax(logits, axis=-1)
    loss = -jnp.sum(logp[jnp.arange(B), label])
    return loss, logits

if __name__ == "__main__":
    import jax
    _d = setup_inputs()
    print(jax.jit(kernel)(*tuple(_d.values())))

</pallas_src>

<mosaic_0001>
#map = affine_map<(d0, d1) -> (0)>
#map1 = affine_map<(d0, d1) -> (0, 0)>
#map2 = affine_map<(d0, d1) -> (0, 0, 0)>
module attributes {stable_mosaic.version = 14 : i64} {
  func.func @_sc_body(%arg0: i32, %arg1: i32, %arg2: memref<320000xi32, #tpu.memory_space<hbm>>, %arg3: memref<320000xi32, #tpu.memory_space<hbm>>, %arg4: memref<320000xi32, #tpu.memory_space<hbm>>, %arg5: memref<320xi32, #tpu.memory_space<hbm>>, %arg6: memref<10000xf32, #tpu.memory_space<hbm>>, %arg7: memref<10000x128xf32, #tpu.memory_space<hbm>>, %arg8: memref<10000x128xf32, #tpu.memory_space<hbm>>, %arg9: memref<8x128xf32, #tpu.memory_space<hbm>>, %arg10: memref<32x20x16xf32, #tpu.memory_space<hbm>>, %arg11: memref<32x20x16xf32, #tpu.memory_space<hbm>>, %arg12: memref<320xi32, #tpu.memory_space<hbm>>, %arg13: memref<10000xi32, #tpu.memory_space<vmem>>, %arg14: memref<10000xi32, #tpu.memory_space<vmem>>, %arg15: memref<10000xi32, #tpu.memory_space<vmem>>, %arg16: memref<10000xi32, #tpu.memory_space<vmem>>, %arg17: memref<10000xf32, #tpu.memory_space<vmem>>, %arg18: memref<320xi32, #tpu.memory_space<vmem>>, %arg19: memref<4x128xf32, #tpu.memory_space<vmem>>, %arg20: memref<320x128xf32, #tpu.memory_space<vmem>>, %arg21: memref<10032xi32, #tpu.memory_space<vmem>>, %arg22: memref<10032xi32, #tpu.memory_space<vmem>>, %arg23: memref<64x128xf32, #tpu.memory_space<vmem>>, %arg24: memref<20x16xf32, #tpu.memory_space<vmem>>, %arg25: memref<20x16xf32, #tpu.memory_space<vmem>>, %arg26: memref<320xi32, #tpu.memory_space<vmem>>, %arg27: memref<!tpu.dma_semaphore, #tpu.memory_space<semaphore_mem>>, %arg28: memref<!tpu.dma_semaphore, #tpu.memory_space<semaphore_mem>>, %arg29: memref<!tpu.dma_semaphore, #tpu.memory_space<semaphore_mem>>, %arg30: memref<!tpu.dma_semaphore, #tpu.memory_space<semaphore_mem>>, %arg31: memref<!tpu.dma_semaphore, #tpu.memory_space<semaphore_mem>>) attributes {dimension_semantics = [#tpu.dimension_semantics<core_parallel>, #tpu.dimension_semantics<subcore_parallel>], iteration_bounds = array<i64: 2, 16>, scalar_prefetch = 0 : i64, scratch_operands = 19 : i64, tpu.core_type = #tpu.core_type<sc_vector_subcore>, window_params = [{transform_indices = #map}, {transform_indices = #map}, {transform_indices = #map}, {transform_indices = #map}, {transform_indices = #map}, {transform_indices = #map1}, {transform_indices = #map1}, {transform_indices = #map1}, {transform_indices = #map2}, {transform_indices = #map2}, {transform_indices = #map}]} {
    %mul3A = arith.constant 2 : i32
    %mul3A_0 = arith.muli %arg1, %mul3A : i32
    %add3A = arith.addi %mul3A_0, %arg0 : i32
    %iota3A = tpu.iota {dimensions = array<i32: 0>} : vector<16xi32>
    %broadcast_in_dim3A = arith.constant 0 : i32
    %broadcast_in_dim3A_1 = vector.broadcast %broadcast_in_dim3A : i32 to vector<16xi32>
    %broadcast_in_dim3A_2 = arith.constant 0.000000e+00 : f32
    %broadcast_in_dim3A_3 = vector.broadcast %broadcast_in_dim3A_2 : f32 to vector<16xf32>
    %mul3A_4 = arith.constant 10000 : i32
    %mul3A_5 = arith.muli %add3A, %mul3A_4 : i32
    %dma_start3A = tpu.memref_slice %arg2[%mul3A_5] : memref<320000xi32, #tpu.memory_space<hbm>> -> memref<10000xi32, #tpu.memory_space<hbm>>
    %dma_start3A_6 = tpu.memref_slice %arg2[%mul3A_5] : memref<320000xi32, #tpu.memory_space<hbm>> -> memref<10000xi32, #tpu.memory_space<hbm>>
    tpu.enqueue_dma source(%dma_start3A_6 : memref<10000xi32, #tpu.memory_space<hbm>>) target(%arg13 : memref<10000xi32, #tpu.memory_space<vmem>>) target_semaphore(%arg27 : memref<!tpu.dma_semaphore, #tpu.memory_space<semaphore_mem>>)
    %dma_start3A_7 = tpu.memref_slice %arg3[%mul3A_5] : memref<320000xi32, #tpu.memory_space<hbm>> -> memref<10000xi32, #tpu.memory_space<hbm>>
    %dma_start3A_8 = tpu.memref_slice %arg3[%mul3A_5] : memref<320000xi32, #tpu.memory_space<hbm>> -> memref<10000xi32, #tpu.memory_space<hbm>>
    tpu.enqueue_dma source(%dma_start3A_8 : memref<10000xi32, #tpu.memory_space<hbm>>) target(%arg14 : memref<10000xi32, #tpu.memory_space<vmem>>) target_semaphore(%arg27 : memref<!tpu.dma_semaphore, #tpu.memory_space<semaphore_mem>>)
    %dma_start3A_9 = tpu.memref_slice %arg4[%mul3A_5] : memref<320000xi32, #tpu.memory_space<hbm>> -> memref<10000xi32, #tpu.memory_space<hbm>>
    %dma_start3A_10 = tpu.memref_slice %arg4[%mul3A_5] : memref<320000xi32, #tpu.memory_space<hbm>> -> memref<10000xi32, #tpu.memory_space<hbm>>
    tpu.enqueue_dma source(%dma_start3A_10 : memref<10000xi32, #tpu.memory_space<hbm>>) target(%arg15 : memref<10000xi32, #tpu.memory_space<vmem>>) target_semaphore(%arg27 : memref<!tpu.dma_semaphore, #tpu.memory_space<semaphore_mem>>)
    tpu.enqueue_dma source(%arg6 : memref<10000xf32, #tpu.memory_space<hbm>>) target(%arg17 : memref<10000xf32, #tpu.memory_space<vmem>>) target_semaphore(%arg28 : memref<!tpu.dma_semaphore, #tpu.memory_space<semaphore_mem>>)
    "tpu.region"() ({
      %run_scoped3A = tpu.sem_alloc : memref<!tpu.dma_semaphore, #tpu.memory_space<semaphore_mem>>
      tpu.enqueue_dma source(%arg5 : memref<320xi32, #tpu.memory_space<hbm>>) target(%arg18 : memref<320xi32, #tpu.memory_space<vmem>>) target_semaphore(%run_scoped3A : memref<!tpu.dma_semaphore, #tpu.memory_space<semaphore_mem>>)
      tpu.wait_dma2 semaphore(%run_scoped3A : memref<!tpu.dma_semaphore, #tpu.memory_space<semaphore_mem>>) src(%arg5 : memref<320xi32, #tpu.memory_space<hbm>>) dst(%arg18 : memref<320xi32, #tpu.memory_space<vmem>>)
      tpu.yield
    }) : () -> ()
    "tpu.region"() ({
      %run_scoped3A = tpu.sem_alloc : memref<!tpu.dma_semaphore, #tpu.memory_space<semaphore_mem>>
      %dma_start3A_143 = arith.constant 0 : i32
      %dma_start3A_144 = arith.constant 0 : i32
      %dma_start3A_145 = tpu.memref_slice %arg9[%dma_start3A_143, %dma_start3A_144] : memref<8x128xf32, #tpu.memory_space<hbm>> -> memref<4x128xf32, #tpu.memory_space<hbm>>
      %dma_start3A_146 = arith.constant 0 : i32
      %dma_start3A_147 = arith.constant 0 : i32
      %dma_start3A_148 = tpu.memref_slice %arg9[%dma_start3A_146, %dma_start3A_147] : memref<8x128xf32, #tpu.memory_space<hbm>> -> memref<4x128xf32, #tpu.memory_space<hbm>>
      tpu.enqueue_dma source(%dma_start3A_148 : memref<4x128xf32, #tpu.memory_space<hbm>>) target(%arg19 : memref<4x128xf32, #tpu.memory_space<vmem>>) target_semaphore(%run_scoped3A : memref<!tpu.dma_semaphore, #tpu.memory_space<semaphore_mem>>)
      %dma_wait3A_149 = arith.constant 0 : i32
      %dma_wait3A_150 = arith.constant 0 : i32
      %dma_wait3A_151 = tpu.memref_slice %arg9[%dma_wait3A_149, %dma_wait3A_150] : memref<8x128xf32, #tpu.memory_space<hbm>> -> memref<4x128xf32, #tpu.memory_space<hbm>>
      %dma_wait3A_152 = arith.constant 0 : i32
      %dma_wait3A_153 = arith.constant 0 : i32
      %dma_wait3A_154 = tpu.memref_slice %arg9[%dma_wait3A_152, %dma_wait3A_153] : memref<8x128xf32, #tpu.memory_space<hbm>> -> memref<4x128xf32, #tpu.memory_space<hbm>>
      tpu.wait_dma2 semaphore(%run_scoped3A : memref<!tpu.dma_semaphore, #tpu.memory_space<semaphore_mem>>) src(%dma_wait3A_154 : memref<4x128xf32, #tpu.memory_space<hbm>>) dst(%arg19 : memref<4x128xf32, #tpu.memory_space<vmem>>)
      tpu.yield
    }) : () -> ()
    %dma_start3A_11 = arith.constant 0 : i32
    %dma_start3A_12 = arith.constant 0 : i32
    %dma_start3A_13 = tpu.memref_slice %arg20[%dma_start3A_11, %dma_start3A_12] : memref<320x128xf32, #tpu.memory_space<vmem>> -> memref<128x128xf32, #tpu.memory_space<vmem>>
    %dma_start3A_14 = arith.constant 0 : i32
    %dma_start3A_15 = tpu.memref_slice %arg18[%dma_start3A_14] : memref<320xi32, #tpu.memory_space<vmem>> -> memref<128xi32, #tpu.memory_space<vmem>>
    %dma_start3A_16 = arith.constant 0 : i32
    %dma_start3A_17 = arith.constant 0 : i32
    %dma_start3A_18 = tpu.memref_slice %arg7[%dma_start3A_16, %dma_start3A_17] : memref<10000x128xf32, #tpu.memory_space<hbm>> -> memref<10000x128xf32, #tpu.memory_space<hbm>>
    tpu.enqueue_indirect_dma source(%dma_start3A_18 : memref<10000x128xf32, #tpu.memory_space<hbm>>) target(%dma_start3A_13 : memref<128x128xf32, #tpu.memory_space<vmem>>) offsets(%dma_start3A_15 : memref<128xi32, #tpu.memory_space<vmem>>) semaphore(%arg29 : memref<!tpu.dma_semaphore, #tpu.memory_space<semaphore_mem>>)
    %dma_start3A_19 = arith.constant 128 : i32
    %dma_start3A_20 = arith.constant 0 : i32
    %dma_start3A_21 = tpu.memref_slice %arg20[%dma_start3A_19, %dma_start3A_20] : memref<320x128xf32, #tpu.memory_space<vmem>> -> memref<128x128xf32, #tpu.memory_space<vmem>>
    %dma_start3A_22 = arith.constant 128 : i32
    %dma_start3A_23 = tpu.memref_slice %arg18[%dma_start3A_22] : memref<320xi32, #tpu.memory_space<vmem>> -> memref<128xi32, #tpu.memory_space<vmem>>
    %dma_start3A_24 = arith.constant 0 : i32
    %dma_start3A_25 = arith.constant 0 : i32
    %dma_start3A_26 = tpu.memref_slice %arg7[%dma_start3A_24, %dma_start3A_25] : memref<10000x128xf32, #tpu.memory_space<hbm>> -> memref<10000x128xf32, #tpu.memory_space<hbm>>
    tpu.enqueue_indirect_dma source(%dma_start3A_26 : memref<10000x128xf32, #tpu.memory_space<hbm>>) target(%dma_start3A_21 : memref<128x128xf32, #tpu.memory_space<vmem>>) offsets(%dma_start3A_23 : memref<128xi32, #tpu.memory_space<vmem>>) semaphore(%arg29 : memref<!tpu.dma_semaphore, #tpu.memory_space<semaphore_mem>>)
    %dma_start3A_27 = arith.constant 256 : i32
    %dma_start3A_28 = arith.constant 0 : i32
    %dma_start3A_29 = tpu.memref_slice %arg20[%dma_start3A_27, %dma_start3A_28] : memref<320x128xf32, #tpu.memory_space<vmem>> -> memref<64x128xf32, #tpu.memory_space<vmem>>
    %dma_start3A_30 = arith.constant 256 : i32
    %dma_start3A_31 = tpu.memref_slice %arg18[%dma_start3A_30] : memref<320xi32, #tpu.memory_space<vmem>> -> memref<64xi32, #tpu.memory_space<vmem>>
    %dma_start3A_32 = arith.constant 0 : i32
    %dma_start3A_33 = arith.constant 0 : i32
    %dma_start3A_34 = tpu.memref_slice %arg7[%dma_start3A_32, %dma_start3A_33] : memref<10000x128xf32, #tpu.memory_space<hbm>> -> memref<10000x128xf32, #tpu.memory_space<hbm>>
    tpu.enqueue_indirect_dma source(%dma_start3A_34 : memref<10000x128xf32, #tpu.memory_space<hbm>>) target(%dma_start3A_29 : memref<64x128xf32, #tpu.memory_space<vmem>>) offsets(%dma_start3A_31 : memref<64xi32, #tpu.memory_space<vmem>>) semaphore(%arg29 : memref<!tpu.dma_semaphore, #tpu.memory_space<semaphore_mem>>)
    %broadcast_in_dim3A_35 = arith.constant -1 : i32
    %broadcast_in_dim3A_36 = vector.broadcast %broadcast_in_dim3A_35 : i32 to vector<16xi32>
    %scan3A = arith.constant 0 : i32
    %scan3A_37 = arith.constant 0 : i32
    %scan3A_38 = arith.constant 125 : i32
    %scan3A_39 = arith.addi %scan3A_37, %scan3A_38 : i32
    %scan3A_40 = arith.constant 1 : i32
    %scan3A_41 = scf.for %scan3A_143 = %scan3A_37 to %scan3A_39 step %scan3A_40 iter_args(%scan3A_144 = %scan3A) -> (i32)  : i32 {
      %mul3A_145 = arith.constant 5 : i32
      %mul3A_146 = arith.muli %scan3A_143, %mul3A_145 : i32
      %add3A_147 = arith.constant 0 : i32
      %add3A_148 = arith.addi %mul3A_146, %add3A_147 : i32
      %mul3A_149 = arith.constant 16 : i32
      %mul3A_150 = arith.muli %add3A_148, %mul3A_149 : i32
      %swap3A = arith.index_cast %mul3A_150 : i32 to index
      %swap3A_151 = tpu.vector_load %arg16[%swap3A] {strides = array<i32>} : memref<10000xi32, #tpu.memory_space<vmem>>, vector<16xi32>,
      tpu.vector_store %arg16[%swap3A], %broadcast_in_dim3A_36 {strides = array<i32>} : memref<10000xi32, #tpu.memory_space<vmem>>, vector<16xi32>,
      %mul3A_152 = arith.constant 5 : i32
      %mul3A_153 = arith.muli %scan3A_143, %mul3A_152 : i32
      %add3A_154 = arith.constant 1 : i32
      %add3A_155 = arith.addi %mul3A_153, %add3A_154 : i32
      %mul3A_156 = arith.constant 16 : i32
      %mul3A_157 = arith.muli %add3A_155, %mul3A_156 : i32
      %swap3A_158 = arith.index_cast %mul3A_157 : i32 to index
      %swap3A_159 = tpu.vector_load %arg16[%swap3A_158] {strides = array<i32>} : memref<10000xi32, #tpu.memory_space<vmem>>, vector<16xi32>,
      tpu.vector_store %arg16[%swap3A_158], %broadcast_in_dim3A_36 {strides = array<i32>} : memref<10000xi32, #tpu.memory_space<vmem>>, vector<16xi32>,
      %mul3A_160 = arith.constant 5 : i32
      %mul3A_161 = arith.muli %scan3A_143, %mul3A_160 : i32
      %add3A_162 = arith.constant 2 : i32
      %add3A_163 = arith.addi %mul3A_161, %add3A_162 : i32
      %mul3A_164 = arith.constant 16 : i32
      %mul3A_165 = arith.muli %add3A_163, %mul3A_164 : i32
      %swap3A_166 = arith.index_cast %mul3A_165 : i32 to index
      %swap3A_167 = tpu.vector_load %arg16[%swap3A_166] {strides = array<i32>} : memref<10000xi32, #tpu.memory_space<vmem>>, vector<16xi32>,
      tpu.vector_store %arg16[%swap3A_166], %broadcast_in_dim3A_36 {strides = array<i32>} : memref<10000xi32, #tpu.memory_space<vmem>>, vector<16xi32>,
      %mul3A_168 = arith.constant 5 : i32
      %mul3A_169 = arith.muli %scan3A_143, %mul3A_168 : i32
      %add3A_170 = arith.constant 3 : i32
      %add3A_171 = arith.addi %mul3A_169, %add3A_170 : i32
      %mul3A_172 = arith.constant 16 : i32
      %mul3A_173 = arith.muli %add3A_171, %mul3A_172 : i32
      %swap3A_174 = arith.index_cast %mul3A_173 : i32 to index
      %swap3A_175 = tpu.vector_load %arg16[%swap3A_174] {strides = array<i32>} : memref<10000xi32, #tpu.memory_space<vmem>>, vector<16xi32>,
      tpu.vector_store %arg16[%swap3A_174], %broadcast_in_dim3A_36 {strides = array<i32>} : memref<10000xi32, #tpu.memory_space<vmem>>, vector<16xi32>,
      %mul3A_176 = arith.constant 5 : i32
      %mul3A_177 = arith.muli %scan3A_143, %mul3A_176 : i32
      %add3A_178 = arith.constant 4 : i32
      %add3A_179 = arith.addi %mul3A_177, %add3A_178 : i32
      %mul3A_180 = arith.constant 16 : i32
      %mul3A_181 = arith.muli %add3A_179, %mul3A_180 : i32
      %swap3A_182 = arith.index_cast %mul3A_181 : i32 to index
      %swap3A_183 = tpu.vector_load %arg16[%swap3A_182] {strides = array<i32>} : memref<10000xi32, #tpu.memory_space<vmem>>, vector<16xi32>,
      tpu.vector_store %arg16[%swap3A_182], %broadcast_in_dim3A_36 {strides = array<i32>} : memref<10000xi32, #tpu.memory_space<vmem>>, vector<16xi32>,
      %scan3A_184 = arith.constant 0 : i32
      scf.yield %scan3A_184 : i32
    }
    %scan3A_42 = arith.constant 125 : i32
    %scan3A_43 = arith.constant 0 : i32
    %scan3A_44 = arith.constant 0 : i32
    %scan3A_45 = arith.constant 20 : i32
    %scan3A_46 = arith.addi %scan3A_44, %scan3A_45 : i32
    %scan3A_47 = arith.constant 1 : i32
    %scan3A_48 = scf.for %scan3A_143 = %scan3A_44 to %scan3A_46 step %scan3A_47 iter_args(%scan3A_144 = %scan3A_43) -> (i32)  : i32 {
      %swap3A = arith.index_cast %scan3A_143 : i32 to index
      %swap3A_145 = arith.constant 0 : index
      %swap3A_146 = tpu.vector_load %arg24[%swap3A, %swap3A_145] {strides = array<i32>} : memref<20x16xf32, #tpu.memory_space<vmem>>, vector<16xf32>,
      tpu.vector_store %arg24[%swap3A, %swap3A_145], %broadcast_in_dim3A_3 {strides = array<i32>} : memref<20x16xf32, #tpu.memory_space<vmem>>, vector<16xf32>,
      %swap3A_147 = arith.index_cast %scan3A_143 : i32 to index
      %swap3A_148 = arith.constant 0 : index
      %swap3A_149 = tpu.vector_load %arg25[%swap3A_147, %swap3A_148] {strides = array<i32>} : memref<20x16xf32, #tpu.memory_space<vmem>>, vector<16xf32>,
      tpu.vector_store %arg25[%swap3A_147, %swap3A_148], %broadcast_in_dim3A_3 {strides = array<i32>} : memref<20x16xf32, #tpu.memory_space<vmem>>, vector<16xf32>,
      %scan3A_150 = arith.constant 0 : i32
      scf.yield %scan3A_150 : i32
    }
    %scan3A_49 = arith.constant 20 : i32
    %scan3A_50 = arith.constant 0 : i32
    %scan3A_51 = arith.constant 0 : i32
    %scan3A_52 = arith.constant 20 : i32
    %scan3A_53 = arith.addi %scan3A_51, %scan3A_52 : i32
    %scan3A_54 = arith.constant 1 : i32
    %scan3A_55 = scf.for %scan3A_143 = %scan3A_51 to %scan3A_53 step %scan3A_54 iter_args(%scan3A_144 = %scan3A_50) -> (i32)  : i32 {
      %mul3A_145 = arith.constant 16 : i32
      %mul3A_146 = arith.muli %scan3A_143, %mul3A_145 : i32
      %get3A = arith.index_cast %mul3A_146 : i32 to index
      %get3A_147 = tpu.vector_load %arg18[%get3A] {strides = array<i32>} : memref<320xi32, #tpu.memory_space<vmem>>, vector<16xi32>,
      %mul3A_148 = arith.constant 16 : i32
      %mul3A_149 = arith.muli %scan3A_143, %mul3A_148 : i32
      %add3A_150 = vector.broadcast %mul3A_149 : i32 to vector<16xi32>
      %add3A_151 = arith.addi %add3A_150, %iota3A : vector<16xi32>
      tpu.vector_store_idx %arg16[%get3A_147], %add3A_151 : memref<10000xi32, #tpu.memory_space<vmem>>[vector<16xi32>], vector<16xi32>,
      %scan3A_152 = arith.constant 0 : i32
      scf.yield %scan3A_152 : i32
    }
    %scan3A_56 = arith.constant 20 : i32
    %dma_wait3A = tpu.memref_slice %arg2[%mul3A_5] : memref<320000xi32, #tpu.memory_space<hbm>> -> memref<10000xi32, #tpu.memory_space<hbm>>
    %dma_wait3A_57 = tpu.memref_slice %arg2[%mul3A_5] : memref<320000xi32, #tpu.memory_space<hbm>> -> memref<10000xi32, #tpu.memory_space<hbm>>
    tpu.wait_dma2 semaphore(%arg27 : memref<!tpu.dma_semaphore, #tpu.memory_space<semaphore_mem>>) src(%dma_wait3A_57 : memref<10000xi32, #tpu.memory_space<hbm>>) dst(%arg13 : memref<10000xi32, #tpu.memory_space<vmem>>)
    %dma_wait3A_58 = tpu.memref_slice %arg3[%mul3A_5] : memref<320000xi32, #tpu.memory_space<hbm>> -> memref<10000xi32, #tpu.memory_space<hbm>>
    %dma_wait3A_59 = tpu.memref_slice %arg3[%mul3A_5] : memref<320000xi32, #tpu.memory_space<hbm>> -> memref<10000xi32, #tpu.memory_space<hbm>>
    tpu.wait_dma2 semaphore(%arg27 : memref<!tpu.dma_semaphore, #tpu.memory_space<semaphore_mem>>) src(%dma_wait3A_59 : memref<10000xi32, #tpu.memory_space<hbm>>) dst(%arg14 : memref<10000xi32, #tpu.memory_space<vmem>>)
    %dma_wait3A_60 = tpu.memref_slice %arg4[%mul3A_5] : memref<320000xi32, #tpu.memory_space<hbm>> -> memref<10000xi32, #tpu.memory_space<hbm>>
    %dma_wait3A_61 = tpu.memref_slice %arg4[%mul3A_5] : memref<320000xi32, #tpu.memory_space<hbm>> -> memref<10000xi32, #tpu.memory_space<hbm>>
    tpu.wait_dma2 semaphore(%arg27 : memref<!tpu.dma_semaphore, #tpu.memory_space<semaphore_mem>>) src(%dma_wait3A_61 : memref<10000xi32, #tpu.memory_space<hbm>>) dst(%arg15 : memref<10000xi32, #tpu.memory_space<vmem>>)
    %broadcast_in_dim3A_62 = arith.constant 0 : i32
    %broadcast_in_dim3A_63 = vector.broadcast %broadcast_in_dim3A_62 : i32 to vector<16xi32>
    %scan3A_64 = arith.constant 0 : i32
    %scan3A_65 = arith.constant 125 : i32
    %scan3A_66 = arith.addi %scan3A_64, %scan3A_65 : i32
    %scan3A_67 = arith.constant 1 : i32
    %scan3A_68 = scf.for %scan3A_143 = %scan3A_64 to %scan3A_66 step %scan3A_67 iter_args(%scan3A_144 = %broadcast_in_dim3A_63) -> (vector<16xi32>)  : i32 {
      %mul3A_145 = arith.constant 5 : i32
      %mul3A_146 = arith.muli %scan3A_143, %mul3A_145 : i32
      %add3A_147 = arith.constant 0 : i32
      %add3A_148 = arith.addi %mul3A_146, %add3A_147 : i32
      %mul3A_149 = arith.constant 16 : i32
      %mul3A_150 = arith.muli %add3A_148, %mul3A_149 : i32
      %get3A = arith.index_cast %mul3A_150 : i32 to index
      %get3A_151 = tpu.vector_load %arg13[%get3A] {strides = array<i32>} : memref<10000xi32, #tpu.memory_space<vmem>>, vector<16xi32>,
      %gather3A = tpu.vector_load_idx %arg16[%get3A_151] : memref<10000xi32, #tpu.memory_space<vmem>>[vector<16xi32>], vector<16xi32>,
      %ge3A = arith.constant 0 : i32
      %ge3A_152 = vector.broadcast %ge3A : i32 to vector<16xi32>
      %ge3A_153 = arith.cmpi sge, %gather3A, %ge3A_152 : vector<16xi32>
      %jit3A_154 = arith.constant 1 : i32
      %jit3A_155 = arith.constant 0 : i32
      %broadcast_in_dim3A_156 = vector.broadcast %jit3A_154 : i32 to vector<16xi32>
      %broadcast_in_dim3A_157 = vector.broadcast %jit3A_155 : i32 to vector<16xi32>
      %select_n3A_158 = arith.select %ge3A_153, %broadcast_in_dim3A_156, %broadcast_in_dim3A_157 : vector<16xi1>, vector<16xi32>
      %broadcast_in_dim3A_159 = arith.constant true
      %broadcast_in_dim3A_160 = vector.broadcast %broadcast_in_dim3A_159 : i1 to vector<16xi1>
      %masked_cumsum3A = tpu.scan <sum>, %select_n3A_158 masked %broadcast_in_dim3A_160 : vector<16xi32>, vector<16xi1> -> vector<16xi32>
      %add3A_161 = arith.addi %scan3A_144, %masked_cumsum3A : vector<16xi32>
      %sub3A_162 = arith.constant 1 : i32
      %sub3A_163 = vector.broadcast %sub3A_162 : i32 to vector<16xi32>
      %sub3A_164 = arith.subi %add3A_161, %sub3A_163 : vector<16xi32>
      %get3A_165 = arith.index_cast %mul3A_150 : i32 to index
      %get3A_166 = tpu.vector_load %arg15[%get3A_165] {strides = array<i32>} : memref<10000xi32, #tpu.memory_space<vmem>>, vector<16xi32>,
      %shift_left3A = arith.constant 9 : i32
      %shift_left3A_167 = vector.broadcast %shift_left3A : i32 to vector<16xi32>
      %shift_left3A_168 = arith.shli %get3A_166, %shift_left3A_167 : vector<16xi32>
      %add3A_169 = arith.addi %gather3A, %shift_left3A_168 : vector<16xi32>
      %get3A_170 = arith.index_cast %mul3A_150 : i32 to index
      %get3A_171 = tpu.vector_load %arg14[%get3A_170] {strides = array<i32>} : memref<10000xi32, #tpu.memory_space<vmem>>, vector<16xi32>,
      tpu.vector_store_idx %arg21[%sub3A_164], %get3A_171 masked %ge3A_153 : memref<10032xi32, #tpu.memory_space<vmem>>[vector<16xi32>], vector<16xi32>, vector<16xi1>
      tpu.vector_store_idx %arg22[%sub3A_164], %add3A_169 masked %ge3A_153 : memref<10032xi32, #tpu.memory_space<vmem>>[vector<16xi32>], vector<16xi32>, vector<16xi1>
      %all_reduce_population_count3A = tpu.all_reduce %ge3A_153 {dim = 0 : i64, kind = #tpu.reduction_kind<sum>} : vector<16xi1> -> vector<16xi32>
      %add3A_172 = arith.addi %scan3A_144, %all_reduce_population_count3A : vector<16xi32>
      %mul3A_173 = arith.constant 5 : i32
      %mul3A_174 = arith.muli %scan3A_143, %mul3A_173 : i32
      %add3A_175 = arith.constant 1 : i32
      %add3A_176 = arith.addi %mul3A_174, %add3A_175 : i32
      %mul3A_177 = arith.constant 16 : i32
      %mul3A_178 = arith.muli %add3A_176, %mul3A_177 : i32
      %get3A_179 = arith.index_cast %mul3A_178 : i32 to index
      %get3A_180 = tpu.vector_load %arg13[%get3A_179] {strides = array<i32>} : memref<10000xi32, #tpu.memory_space<vmem>>, vector<16xi32>,
      %gather3A_181 = tpu.vector_load_idx %arg16[%get3A_180] : memref<10000xi32, #tpu.memory_space<vmem>>[vector<16xi32>], vector<16xi32>,
      %ge3A_182 = arith.constant 0 : i32
      %ge3A_183 = vector.broadcast %ge3A_182 : i32 to vector<16xi32>
      %ge3A_184 = arith.cmpi sge, %gather3A_181, %ge3A_183 : vector<16xi32>
      %jit3A_185 = arith.constant 1 : i32
      %jit3A_186 = arith.constant 0 : i32
      %broadcast_in_dim3A_187 = vector.broadcast %jit3A_185 : i32 to vector<16xi32>
      %broadcast_in_dim3A_188 = vector.broadcast %jit3A_186 : i32 to vector<16xi32>
      %select_n3A_189 = arith.select %ge3A_184, %broadcast_in_dim3A_187, %broadcast_in_dim3A_188 : vector<16xi1>, vector<16xi32>
      %broadcast_in_dim3A_190 = arith.constant true
      %broadcast_in_dim3A_191 = vector.broadcast %broadcast_in_dim3A_190 : i1 to vector<16xi1>
      %masked_cumsum3A_192 = tpu.scan <sum>, %select_n3A_189 masked %broadcast_in_dim3A_191 : vector<16xi32>, vector<16xi1> -> vector<16xi32>
      %add3A_193 = arith.addi %add3A_172, %masked_cumsum3A_192 : vector<16xi32>
      %sub3A_194 = arith.constant 1 : i32
      %sub3A_195 = vector.broadcast %sub3A_194 : i32 to vector<16xi32>
      %sub3A_196 = arith.subi %add3A_193, %sub3A_195 : vector<16xi32>
      %get3A_197 = arith.index_cast %mul3A_178 : i32 to index
      %get3A_198 = tpu.vector_load %arg15[%get3A_197] {strides = array<i32>} : memref<10000xi32, #tpu.memory_space<vmem>>, vector<16xi32>,
      %shift_left3A_199 = arith.constant 9 : i32
      %shift_left3A_200 = vector.broadcast %shift_left3A_199 : i32 to vector<16xi32>
      %shift_left3A_201 = arith.shli %get3A_198, %shift_left3A_200 : vector<16xi32>
      %add3A_202 = arith.addi %gather3A_181, %shift_left3A_201 : vector<16xi32>
      %get3A_203 = arith.index_cast %mul3A_178 : i32 to index
      %get3A_204 = tpu.vector_load %arg14[%get3A_203] {strides = array<i32>} : memref<10000xi32, #tpu.memory_space<vmem>>, vector<16xi32>,
      tpu.vector_store_idx %arg21[%sub3A_196], %get3A_204 masked %ge3A_184 : memref<10032xi32, #tpu.memory_space<vmem>>[vector<16xi32>], vector<16xi32>, vector<16xi1>
      tpu.vector_store_idx %arg22[%sub3A_196], %add3A_202 masked %ge3A_184 : memref<10032xi32, #tpu.memory_space<vmem>>[vector<16xi32>], vector<16xi32>, vector<16xi1>
      %all_reduce_population_count3A_205 = tpu.all_reduce %ge3A_184 {dim = 0 : i64, kind = #tpu.reduction_kind<sum>} : vector<16xi1> -> vector<16xi32>
      %add3A_206 = arith.addi %add3A_172, %all_reduce_population_count3A_205 : vector<16xi32>
      %mul3A_207 = arith.constant 5 : i32
      %mul3A_208 = arith.muli %scan3A_143, %mul3A_207 : i32
      %add3A_209 = arith.constant 2 : i32
      %add3A_210 = arith.addi %mul3A_208, %add3A_209 : i32
      %mul3A_211 = arith.constant 16 : i32
      %mul3A_212 = arith.muli %add3A_210, %mul3A_211 : i32
      %get3A_213 = arith.index_cast %mul3A_212 : i32 to index
      %get3A_214 = tpu.vector_load %arg13[%get3A_213] {strides = array<i32>} : memref<10000xi32, #tpu.memory_space<vmem>>, vector<16xi32>,
      %gather3A_215 = tpu.vector_load_idx %arg16[%get3A_214] : memref<10000xi32, #tpu.memory_space<vmem>>[vector<16xi32>], vector<16xi32>,
      %ge3A_216 = arith.constant 0 : i32
      %ge3A_217 = vector.broadcast %ge3A_216 : i32 to vector<16xi32>
      %ge3A_218 = arith.cmpi sge, %gather3A_215, %ge3A_217 : vector<16xi32>
      %jit3A_219 = arith.constant 1 : i32
      %jit3A_220 = arith.constant 0 : i32
      %broadcast_in_dim3A_221 = vector.broadcast %jit3A_219 : i32 to vector<16xi32>
      %broadcast_in_dim3A_222 = vector.broadcast %jit3A_220 : i32 to vector<16xi32>
      %select_n3A_223 = arith.select %ge3A_218, %broadcast_in_dim3A_221, %broadcast_in_dim3A_222 : vector<16xi1>, vector<16xi32>
      %broadcast_in_dim3A_224 = arith.constant true
      %broadcast_in_dim3A_225 = vector.broadcast %broadcast_in_dim3A_224 : i1 to vector<16xi1>
      %masked_cumsum3A_226 = tpu.scan <sum>, %select_n3A_223 masked %broadcast_in_dim3A_225 : vector<16xi32>, vector<16xi1> -> vector<16xi32>
      %add3A_227 = arith.addi %add3A_206, %masked_cumsum3A_226 : vector<16xi32>
      %sub3A_228 = arith.constant 1 : i32
      %sub3A_229 = vector.broadcast %sub3A_228 : i32 to vector<16xi32>
      %sub3A_230 = arith.subi %add3A_227, %sub3A_229 : vector<16xi32>
      %get3A_231 = arith.index_cast %mul3A_212 : i32 to index
      %get3A_232 = tpu.vector_load %arg15[%get3A_231] {strides = array<i32>} : memref<10000xi32, #tpu.memory_space<vmem>>, vector<16xi32>,
      %shift_left3A_233 = arith.constant 9 : i32
      %shift_left3A_234 = vector.broadcast %shift_left3A_233 : i32 to vector<16xi32>
      %shift_left3A_235 = arith.shli %get3A_232, %shift_left3A_234 : vector<16xi32>
      %add3A_236 = arith.addi %gather3A_215, %shift_left3A_235 : vector<16xi32>
      %get3A_237 = arith.index_cast %mul3A_212 : i32 to index
      %get3A_238 = tpu.vector_load %arg14[%get3A_237] {strides = array<i32>} : memref<10000xi32, #tpu.memory_space<vmem>>, vector<16xi32>,
      tpu.vector_store_idx %arg21[%sub3A_230], %get3A_238 masked %ge3A_218 : memref<10032xi32, #tpu.memory_space<vmem>>[vector<16xi32>], vector<16xi32>, vector<16xi1>
      tpu.vector_store_idx %arg22[%sub3A_230], %add3A_236 masked %ge3A_218 : memref<10032xi32, #tpu.memory_space<vmem>>[vector<16xi32>], vector<16xi32>, vector<16xi1>
      %all_reduce_population_count3A_239 = tpu.all_reduce %ge3A_218 {dim = 0 : i64, kind = #tpu.reduction_kind<sum>} : vector<16xi1> -> vector<16xi32>
      %add3A_240 = arith.addi %add3A_206, %all_reduce_population_count3A_239 : vector<16xi32>
      %mul3A_241 = arith.constant 5 : i32
      %mul3A_242 = arith.muli %scan3A_143, %mul3A_241 : i32
      %add3A_243 = arith.constant 3 : i32
      %add3A_244 = arith.addi %mul3A_242, %add3A_243 : i32
      %mul3A_245 = arith.constant 16 : i32
      %mul3A_246 = arith.muli %add3A_244, %mul3A_245 : i32
      %get3A_247 = arith.index_cast %mul3A_246 : i32 to index
      %get3A_248 = tpu.vector_load %arg13[%get3A_247] {strides = array<i32>} : memref<10000xi32, #tpu.memory_space<vmem>>, vector<16xi32>,
      %gather3A_249 = tpu.vector_load_idx %arg16[%get3A_248] : memref<10000xi32, #tpu.memory_space<vmem>>[vector<16xi32>], vector<16xi32>,
      %ge3A_250 = arith.constant 0 : i32
      %ge3A_251 = vector.broadcast %ge3A_250 : i32 to vector<16xi32>
      %ge3A_252 = arith.cmpi sge, %gather3A_249, %ge3A_251 : vector<16xi32>
      %jit3A_253 = arith.constant 1 : i32
      %jit3A_254 = arith.constant 0 : i32
      %broadcast_in_dim3A_255 = vector.broadcast %jit3A_253 : i32 to vector<16xi32>
      %broadcast_in_dim3A_256 = vector.broadcast %jit3A_254 : i32 to vector<16xi32>
      %select_n3A_257 = arith.select %ge3A_252, %broadcast_in_dim3A_255, %broadcast_in_dim3A_256 : vector<16xi1>, vector<16xi32>
      %broadcast_in_dim3A_258 = arith.constant true
      %broadcast_in_dim3A_259 = vector.broadcast %broadcast_in_dim3A_258 : i1 to vector<16xi1>
      %masked_cumsum3A_260 = tpu.scan <sum>, %select_n3A_257 masked %broadcast_in_dim3A_259 : vector<16xi32>, vector<16xi1> -> vector<16xi32>
      %add3A_261 = arith.addi %add3A_240, %masked_cumsum3A_260 : vector<16xi32>
      %sub3A_262 = arith.constant 1 : i32
      %sub3A_263 = vector.broadcast %sub3A_262 : i32 to vector<16xi32>
      %sub3A_264 = arith.subi %add3A_261, %sub3A_263 : vector<16xi32>
      %get3A_265 = arith.index_cast %mul3A_246 : i32 to index
      %get3A_266 = tpu.vector_load %arg15[%get3A_265] {strides = array<i32>} : memref<10000xi32, #tpu.memory_space<vmem>>, vector<16xi32>,
      %shift_left3A_267 = arith.constant 9 : i32
      %shift_left3A_268 = vector.broadcast %shift_left3A_267 : i32 to vector<16xi32>
      %shift_left3A_269 = arith.shli %get3A_266, %shift_left3A_268 : vector<16xi32>
      %add3A_270 = arith.addi %gather3A_249, %shift_left3A_269 : vector<16xi32>
      %get3A_271 = arith.index_cast %mul3A_246 : i32 to index
      %get3A_272 = tpu.vector_load %arg14[%get3A_271] {strides = array<i32>} : memref<10000xi32, #tpu.memory_space<vmem>>, vector<16xi32>,
      tpu.vector_store_idx %arg21[%sub3A_264], %get3A_272 masked %ge3A_252 : memref<10032xi32, #tpu.memory_space<vmem>>[vector<16xi32>], vector<16xi32>, vector<16xi1>
      tpu.vector_store_idx %arg22[%sub3A_264], %add3A_270 masked %ge3A_252 : memref<10032xi32, #tpu.memory_space<vmem>>[vector<16xi32>], vector<16xi32>, vector<16xi1>
      %all_reduce_population_count3A_273 = tpu.all_reduce %ge3A_252 {dim = 0 : i64, kind = #tpu.reduction_kind<sum>} : vector<16xi1> -> vector<16xi32>
      %add3A_274 = arith.addi %add3A_240, %all_reduce_population_count3A_273 : vector<16xi32>
      %mul3A_275 = arith.constant 5 : i32
      %mul3A_276 = arith.muli %scan3A_143, %mul3A_275 : i32
      %add3A_277 = arith.constant 4 : i32
      %add3A_278 = arith.addi %mul3A_276, %add3A_277 : i32
      %mul3A_279 = arith.constant 16 : i32
      %mul3A_280 = arith.muli %add3A_278, %mul3A_279 : i32
      %get3A_281 = arith.index_cast %mul3A_280 : i32 to index
      %get3A_282 = tpu.vector_load %arg13[%get3A_281] {strides = array<i32>} : memref<10000xi32, #tpu.memory_space<vmem>>, vector<16xi32>,
      %gather3A_283 = tpu.vector_load_idx %arg16[%get3A_282] : memref<10000xi32, #tpu.memory_space<vmem>>[vector<16xi32>], vector<16xi32>,
      %ge3A_284 = arith.constant 0 : i32
      %ge3A_285 = vector.broadcast %ge3A_284 : i32 to vector<16xi32>
      %ge3A_286 = arith.cmpi sge, %gather3A_283, %ge3A_285 : vector<16xi32>
      %jit3A_287 = arith.constant 1 : i32
      %jit3A_288 = arith.constant 0 : i32
      %broadcast_in_dim3A_289 = vector.broadcast %jit3A_287 : i32 to vector<16xi32>
      %broadcast_in_dim3A_290 = vector.broadcast %jit3A_288 : i32 to vector<16xi32>
      %select_n3A_291 = arith.select %ge3A_286, %broadcast_in_dim3A_289, %broadcast_in_dim3A_290 : vector<16xi1>, vector<16xi32>
      %broadcast_in_dim3A_292 = arith.constant true
      %broadcast_in_dim3A_293 = vector.broadcast %broadcast_in_dim3A_292 : i1 to vector<16xi1>
      %masked_cumsum3A_294 = tpu.scan <sum>, %select_n3A_291 masked %broadcast_in_dim3A_293 : vector<16xi32>, vector<16xi1> -> vector<16xi32>
      %add3A_295 = arith.addi %add3A_274, %masked_cumsum3A_294 : vector<16xi32>
      %sub3A_296 = arith.constant 1 : i32
      %sub3A_297 = vector.broadcast %sub3A_296 : i32 to vector<16xi32>
      %sub3A_298 = arith.subi %add3A_295, %sub3A_297 : vector<16xi32>
      %get3A_299 = arith.index_cast %mul3A_280 : i32 to index
      %get3A_300 = tpu.vector_load %arg15[%get3A_299] {strides = array<i32>} : memref<10000xi32, #tpu.memory_space<vmem>>, vector<16xi32>,
      %shift_left3A_301 = arith.constant 9 : i32
      %shift_left3A_302 = vector.broadcast %shift_left3A_301 : i32 to vector<16xi32>
      %shift_left3A_303 = arith.shli %get3A_300, %shift_left3A_302 : vector<16xi32>
      %add3A_304 = arith.addi %gather3A_283, %shift_left3A_303 : vector<16xi32>
      %get3A_305 = arith.index_cast %mul3A_280 : i32 to index
      %get3A_306 = tpu.vector_load %arg14[%get3A_305] {strides = array<i32>} : memref<10000xi32, #tpu.memory_space<vmem>>, vector<16xi32>,
      tpu.vector_store_idx %arg21[%sub3A_298], %get3A_306 masked %ge3A_286 : memref<10032xi32, #tpu.memory_space<vmem>>[vector<16xi32>], vector<16xi32>, vector<16xi1>
      tpu.vector_store_idx %arg22[%sub3A_298], %add3A_304 masked %ge3A_286 : memref<10032xi32, #tpu.memory_space<vmem>>[vector<16xi32>], vector<16xi32>, vector<16xi1>
      %all_reduce_population_count3A_307 = tpu.all_reduce %ge3A_286 {dim = 0 : i64, kind = #tpu.reduction_kind<sum>} : vector<16xi1> -> vector<16xi32>
      %add3A_308 = arith.addi %add3A_274, %all_reduce_population_count3A_307 : vector<16xi32>
      scf.yield %add3A_308 : vector<16xi32>
    }
    %scan3A_69 = arith.constant 125 : i32
    %slice3A = vector.extract_strided_slice %scan3A_68 {offsets = [0], sizes = [1], strides = [1]} : vector<16xi32> to vector<1xi32>
    %squeeze3A = vector.extract %slice3A[0] : i32 from vector<1xi32>
    %scan3A_70 = arith.constant 0 : i32
    %scan3A_71 = arith.constant 0 : i32
    %scan3A_72 = arith.constant 2 : i32
    %scan3A_73 = arith.addi %scan3A_71, %scan3A_72 : i32
    %scan3A_74 = arith.constant 1 : i32
    %scan3A_75 = scf.for %scan3A_143 = %scan3A_71 to %scan3A_73 step %scan3A_74 iter_args(%scan3A_144 = %scan3A_70) -> (i32)  : i32 {
      %mul3A_145 = arith.constant 16 : i32
      %mul3A_146 = arith.muli %scan3A_143, %mul3A_145 : i32
      %add3A_147 = arith.addi %squeeze3A, %mul3A_146 : i32
      %swap3A = arith.index_cast %add3A_147 : i32 to index
      %swap3A_148 = tpu.vector_load %arg21[%swap3A] {strides = array<i32>} : memref<10032xi32, #tpu.memory_space<vmem>>, vector<16xi32>,
      tpu.vector_store %arg21[%swap3A], %broadcast_in_dim3A_1 {strides = array<i32>} : memref<10032xi32, #tpu.memory_space<vmem>>, vector<16xi32>,
      %swap3A_149 = arith.index_cast %add3A_147 : i32 to index
      %swap3A_150 = tpu.vector_load %arg22[%swap3A_149] {strides = array<i32>} : memref<10032xi32, #tpu.memory_space<vmem>>, vector<16xi32>,
      tpu.vector_store %arg22[%swap3A_149], %broadcast_in_dim3A_1 {strides = array<i32>} : memref<10032xi32, #tpu.memory_space<vmem>>, vector<16xi32>,
      %scan3A_151 = arith.constant 0 : i32
      scf.yield %scan3A_151 : i32
    }
    %scan3A_76 = arith.constant 2 : i32
    tpu.wait_dma2 semaphore(%arg28 : memref<!tpu.dma_semaphore, #tpu.memory_space<semaphore_mem>>) src(%arg6 : memref<10000xf32, #tpu.memory_space<hbm>>) dst(%arg17 : memref<10000xf32, #tpu.memory_space<vmem>>)
    %dma_wait3A_77 = arith.constant 0 : i32
    %dma_wait3A_78 = arith.constant 0 : i32
    %dma_wait3A_79 = tpu.memref_slice %arg20[%dma_wait3A_77, %dma_wait3A_78] : memref<320x128xf32, #tpu.memory_space<vmem>> -> memref<128x128xf32, #tpu.memory_space<vmem>>
    %dma_wait3A_80 = arith.constant 0 : i32
    %dma_wait3A_81 = tpu.memref_slice %arg18[%dma_wait3A_80] : memref<320xi32, #tpu.memory_space<vmem>> -> memref<128xi32, #tpu.memory_space<vmem>>
    %dma_wait3A_82 = arith.constant 0 : i32
    %dma_wait3A_83 = arith.constant 0 : i32
    %dma_wait3A_84 = tpu.memref_slice %arg7[%dma_wait3A_82, %dma_wait3A_83] : memref<10000x128xf32, #tpu.memory_space<hbm>> -> memref<10000x128xf32, #tpu.memory_space<hbm>>
    tpu.wait_indirect_dma semaphore(%arg29 : memref<!tpu.dma_semaphore, #tpu.memory_space<semaphore_mem>>) src(%dma_wait3A_84 : memref<10000x128xf32, #tpu.memory_space<hbm>>) dst(%dma_wait3A_79 : memref<128x128xf32, #tpu.memory_space<vmem>>)
    %dma_wait3A_85 = arith.constant 128 : i32
    %dma_wait3A_86 = arith.constant 0 : i32
    %dma_wait3A_87 = tpu.memref_slice %arg20[%dma_wait3A_85, %dma_wait3A_86] : memref<320x128xf32, #tpu.memory_space<vmem>> -> memref<128x128xf32, #tpu.memory_space<vmem>>
    %dma_wait3A_88 = arith.constant 128 : i32
    %dma_wait3A_89 = tpu.memref_slice %arg18[%dma_wait3A_88] : memref<320xi32, #tpu.memory_space<vmem>> -> memref<128xi32, #tpu.memory_space<vmem>>
    %dma_wait3A_90 = arith.constant 0 : i32
    %dma_wait3A_91 = arith.constant 0 : i32
    %dma_wait3A_92 = tpu.memref_slice %arg7[%dma_wait3A_90, %dma_wait3A_91] : memref<10000x128xf32, #tpu.memory_space<hbm>> -> memref<10000x128xf32, #tpu.memory_space<hbm>>
    tpu.wait_indirect_dma semaphore(%arg29 : memref<!tpu.dma_semaphore, #tpu.memory_space<semaphore_mem>>) src(%dma_wait3A_92 : memref<10000x128xf32, #tpu.memory_space<hbm>>) dst(%dma_wait3A_87 : memref<128x128xf32, #tpu.memory_space<vmem>>)
    %dma_wait3A_93 = arith.constant 256 : i32
    %dma_wait3A_94 = arith.constant 0 : i32
    %dma_wait3A_95 = tpu.memref_slice %arg20[%dma_wait3A_93, %dma_wait3A_94] : memref<320x128xf32, #tpu.memory_space<vmem>> -> memref<64x128xf32, #tpu.memory_space<vmem>>
    %dma_wait3A_96 = arith.constant 256 : i32
    %dma_wait3A_97 = tpu.memref_slice %arg18[%dma_wait3A_96] : memref<320xi32, #tpu.memory_space<vmem>> -> memref<64xi32, #tpu.memory_space<vmem>>
    %dma_wait3A_98 = arith.constant 0 : i32
    %dma_wait3A_99 = arith.constant 0 : i32
    %dma_wait3A_100 = tpu.memref_slice %arg7[%dma_wait3A_98, %dma_wait3A_99] : memref<10000x128xf32, #tpu.memory_space<hbm>> -> memref<10000x128xf32, #tpu.memory_space<hbm>>
    tpu.wait_indirect_dma semaphore(%arg29 : memref<!tpu.dma_semaphore, #tpu.memory_space<semaphore_mem>>) src(%dma_wait3A_100 : memref<10000x128xf32, #tpu.memory_space<hbm>>) dst(%dma_wait3A_95 : memref<64x128xf32, #tpu.memory_space<vmem>>)
    %add3A_101 = arith.constant 32 : i32
    %add3A_102 = arith.addi %squeeze3A, %add3A_101 : i32
    %sub3A = arith.constant 1 : i32
    %sub3A_103 = arith.subi %add3A_102, %sub3A : i32
    %jit3A = arith.constant 32 : i32
    %div3A = arith.divsi %sub3A_103, %jit3A : i32
    %sign3A = arith.constant 0 : i32
    %sign3A_104 = arith.cmpi sgt, %sub3A_103, %sign3A : i32
    %sign3A_105 = arith.extui %sign3A_104 : i1 to i32
    %sign3A_106 = arith.constant 0 : i32
    %sign3A_107 = arith.cmpi slt, %sub3A_103, %sign3A_106 : i32
    %sign3A_108 = arith.extui %sign3A_107 : i1 to i32
    %sign3A_109 = arith.subi %sign3A_105, %sign3A_108 : i32
    %sign3A_110 = arith.constant 0 : i32
    %sign3A_111 = arith.cmpi sgt, %jit3A, %sign3A_110 : i32
    %sign3A_112 = arith.extui %sign3A_111 : i1 to i32
    %sign3A_113 = arith.constant 0 : i32
    %sign3A_114 = arith.cmpi slt, %jit3A, %sign3A_113 : i32
    %sign3A_115 = arith.extui %sign3A_114 : i1 to i32
    %sign3A_116 = arith.subi %sign3A_112, %sign3A_115 : i32
    %ne3A = arith.cmpi ne, %sign3A_109, %sign3A_116 : i32
    %rem3A = arith.remsi %sub3A_103, %jit3A : i32
    %ne3A_117 = arith.constant 0 : i32
    %ne3A_118 = arith.cmpi ne, %rem3A, %ne3A_117 : i32
    %and3A = arith.andi %ne3A, %ne3A_118 : i1
    %sub3A_119 = arith.constant 1 : i32
    %sub3A_120 = arith.subi %div3A, %sub3A_119 : i32
    %select_n3A = arith.select %and3A, %sub3A_120, %div3A : i32
    %gt3A = arith.constant 0 : i32
    %gt3A_121 = arith.cmpi sgt, %select_n3A, %gt3A : i32
    %convert_element_type3A = arith.extui %gt3A_121 : i1 to i32
    %cond3A = arith.constant 0 : i32
    %cond3A_122 = arith.cmpi ne, %convert_element_type3A, %cond3A : i32
    scf.if %cond3A_122 {
      %dma_start3A_143 = arith.constant 0 : i32
      %dma_start3A_144 = arith.constant 0 : i32
      %dma_start3A_145 = tpu.memref_slice %arg23[%dma_start3A_143, %dma_start3A_144] : memref<64x128xf32, #tpu.memory_space<vmem>> -> memref<32x128xf32, #tpu.memory_space<vmem>>
      %dma_start3A_146 = arith.constant 0 : i32
      %dma_start3A_147 = tpu.memref_slice %arg21[%dma_start3A_146] : memref<10032xi32, #tpu.memory_space<vmem>> -> memref<32xi32, #tpu.memory_space<vmem>>
      %dma_start3A_148 = arith.constant 0 : i32
      %dma_start3A_149 = arith.constant 0 : i32
      %dma_start3A_150 = tpu.memref_slice %arg8[%dma_start3A_148, %dma_start3A_149] : memref<10000x128xf32, #tpu.memory_space<hbm>> -> memref<10000x128xf32, #tpu.memory_space<hbm>>
      tpu.enqueue_indirect_dma source(%dma_start3A_150 : memref<10000x128xf32, #tpu.memory_space<hbm>>) target(%dma_start3A_145 : memref<32x128xf32, #tpu.memory_space<vmem>>) offsets(%dma_start3A_147 : memref<32xi32, #tpu.memory_space<vmem>>) semaphore(%arg30 : memref<!tpu.dma_semaphore, #tpu.memory_space<semaphore_mem>>)
    } else {
    }
    %gt3A_123 = arith.constant 1 : i32
    %gt3A_124 = arith.cmpi sgt, %select_n3A, %gt3A_123 : i32
    %convert_element_type3A_125 = arith.extui %gt3A_124 : i1 to i32
    %cond3A_126 = arith.constant 0 : i32
    %cond3A_127 = arith.cmpi ne, %convert_element_type3A_125, %cond3A_126 : i32
    scf.if %cond3A_127 {
      %dma_start3A_143 = arith.constant 32 : i32
      %dma_start3A_144 = arith.constant 0 : i32
      %dma_start3A_145 = tpu.memref_slice %arg23[%dma_start3A_143, %dma_start3A_144] : memref<64x128xf32, #tpu.memory_space<vmem>> -> memref<32x128xf32, #tpu.memory_space<vmem>>
      %dma_start3A_146 = arith.constant 32 : i32
      %dma_start3A_147 = tpu.memref_slice %arg21[%dma_start3A_146] : memref<10032xi32, #tpu.memory_space<vmem>> -> memref<32xi32, #tpu.memory_space<vmem>>
      %dma_start3A_148 = arith.constant 0 : i32
      %dma_start3A_149 = arith.constant 0 : i32
      %dma_start3A_150 = tpu.memref_slice %arg8[%dma_start3A_148, %dma_start3A_149] : memref<10000x128xf32, #tpu.memory_space<hbm>> -> memref<10000x128xf32, #tpu.memory_space<hbm>>
      tpu.enqueue_indirect_dma source(%dma_start3A_150 : memref<10000x128xf32, #tpu.memory_space<hbm>>) target(%dma_start3A_145 : memref<32x128xf32, #tpu.memory_space<vmem>>) offsets(%dma_start3A_147 : memref<32xi32, #tpu.memory_space<vmem>>) semaphore(%arg31 : memref<!tpu.dma_semaphore, #tpu.memory_space<semaphore_mem>>)
    } else {
    }
    %while3A = arith.constant 0 : i32
    %while3A_128 = arith.constant 0 : i32
    %while3A_129 = arith.subi %select_n3A, %while3A : i32
    %while3A_130 = arith.addi %while3A, %while3A_129 : i32
    %while3A_131 = arith.constant 1 : i32
    %while3A_132 = arith.divsi %while3A_129, %while3A_131 : i32
    %while3A_133 = arith.muli %while3A_132, %while3A_131 : i32
    %while3A_134 = arith.addi %while3A, %while3A_133 : i32
    %while3A_135 = arith.constant 1 : i32
    %while3A_136 = scf.for %while3A_143 = %while3A to %while3A_134 step %while3A_135 iter_args(%while3A_144 = %while3A_128) -> (i32)  : i32 {
      %rem3A_145 = arith.constant 2 : i32
      %rem3A_146 = arith.remsi %while3A_143, %rem3A_145 : i32
      %eq3A_147 = arith.constant 0 : i32
      %eq3A_148 = arith.cmpi eq, %rem3A_146, %eq3A_147 : i32
      %convert_element_type3A_149 = arith.extui %eq3A_148 : i1 to i32
      %cond3A_150 = arith.constant 0 : i32
      %cond3A_151 = arith.cmpi ne, %convert_element_type3A_149, %cond3A_150 : i32
      scf.if %cond3A_151 {
        %mul3A_170 = arith.constant 32 : i32
        %mul3A_171 = arith.muli %while3A_143, %mul3A_170 : i32
        %dma_wait3A_172 = arith.constant 0 : i32
        %dma_wait3A_173 = arith.constant 0 : i32
        %dma_wait3A_174 = tpu.memref_slice %arg23[%dma_wait3A_172, %dma_wait3A_173] : memref<64x128xf32, #tpu.memory_space<vmem>> -> memref<32x128xf32, #tpu.memory_space<vmem>>
        %dma_wait3A_175 = tpu.memref_slice %arg21[%mul3A_171] : memref<10032xi32, #tpu.memory_space<vmem>> -> memref<32xi32, #tpu.memory_space<vmem>>
        %dma_wait3A_176 = arith.constant 0 : i32
        %dma_wait3A_177 = arith.constant 0 : i32
        %dma_wait3A_178 = tpu.memref_slice %arg8[%dma_wait3A_176, %dma_wait3A_177] : memref<10000x128xf32, #tpu.memory_space<hbm>> -> memref<10000x128xf32, #tpu.memory_space<hbm>>
        tpu.wait_indirect_dma semaphore(%arg30 : memref<!tpu.dma_semaphore, #tpu.memory_space<semaphore_mem>>) src(%dma_wait3A_178 : memref<10000x128xf32, #tpu.memory_space<hbm>>) dst(%dma_wait3A_174 : memref<32x128xf32, #tpu.memory_space<vmem>>)
      } else {
      }
      %eq3A_152 = arith.constant 1 : i32
      %eq3A_153 = arith.cmpi eq, %rem3A_146, %eq3A_152 : i32
      %convert_element_type3A_154 = arith.extui %eq3A_153 : i1 to i32
      %cond3A_155 = arith.constant 0 : i32
      %cond3A_156 = arith.cmpi ne, %convert_element_type3A_154, %cond3A_155 : i32
      scf.if %cond3A_156 {
        %mul3A_170 = arith.constant 32 : i32
        %mul3A_171 = arith.muli %while3A_143, %mul3A_170 : i32
        %dma_wait3A_172 = arith.constant 32 : i32
        %dma_wait3A_173 = arith.constant 0 : i32
        %dma_wait3A_174 = tpu.memref_slice %arg23[%dma_wait3A_172, %dma_wait3A_173] : memref<64x128xf32, #tpu.memory_space<vmem>> -> memref<32x128xf32, #tpu.memory_space<vmem>>
        %dma_wait3A_175 = tpu.memref_slice %arg21[%mul3A_171] : memref<10032xi32, #tpu.memory_space<vmem>> -> memref<32xi32, #tpu.memory_space<vmem>>
        %dma_wait3A_176 = arith.constant 0 : i32
        %dma_wait3A_177 = arith.constant 0 : i32
        %dma_wait3A_178 = tpu.memref_slice %arg8[%dma_wait3A_176, %dma_wait3A_177] : memref<10000x128xf32, #tpu.memory_space<hbm>> -> memref<10000x128xf32, #tpu.memory_space<hbm>>
        tpu.wait_indirect_dma semaphore(%arg31 : memref<!tpu.dma_semaphore, #tpu.memory_space<semaphore_mem>>) src(%dma_wait3A_178 : memref<10000x128xf32, #tpu.memory_space<hbm>>) dst(%dma_wait3A_174 : memref<32x128xf32, #tpu.memory_space<vmem>>)
      } else {
      }
      %scan3A_157 = arith.constant 0 : i32
      %scan3A_158 = arith.constant 0 : i32
      %scan3A_159 = arith.constant 2 : i32
      %scan3A_160 = arith.addi %scan3A_158, %scan3A_159 : i32
      %scan3A_161 = arith.constant 1 : i32
      %scan3A_162 = scf.for %scan3A_170 = %scan3A_158 to %scan3A_160 step %scan3A_161 iter_args(%scan3A_171 = %scan3A_157) -> (i32)  : i32 {
        %mul3A_172 = arith.constant 32 : i32
        %mul3A_173 = arith.muli %while3A_143, %mul3A_172 : i32
        %mul3A_174 = arith.constant 16 : i32
        %mul3A_175 = arith.muli %scan3A_170, %mul3A_174 : i32
        %add3A_176 = arith.addi %mul3A_173, %mul3A_175 : i32
        %get3A = arith.index_cast %add3A_176 : i32 to index
        %get3A_177 = tpu.vector_load %arg22[%get3A] {strides = array<i32>} : memref<10032xi32, #tpu.memory_space<vmem>>, vector<16xi32>,
        %get3A_178 = arith.index_cast %add3A_176 : i32 to index
        %get3A_179 = tpu.vector_load %arg21[%get3A_178] {strides = array<i32>} : memref<10032xi32, #tpu.memory_space<vmem>>, vector<16xi32>,
        %and3A_180 = arith.constant 511 : i32
        %and3A_181 = vector.broadcast %and3A_180 : i32 to vector<16xi32>
        %and3A_182 = arith.andi %get3A_177, %and3A_181 : vector<16xi32>
        %shift_right_logical3A = arith.constant 9 : i32
        %shift_right_logical3A_183 = vector.broadcast %shift_right_logical3A : i32 to vector<16xi32>
        %shift_right_logical3A_184 = arith.shrui %get3A_177, %shift_right_logical3A_183 : vector<16xi32>
        %add3A_185 = vector.broadcast %add3A_176 : i32 to vector<16xi32>
        %add3A_186 = arith.addi %add3A_185, %iota3A : vector<16xi32>
        %lt3A_187 = vector.broadcast %squeeze3A : i32 to vector<16xi32>
        %lt3A_188 = arith.cmpi slt, %add3A_186, %lt3A_187 : vector<16xi32>
        %mul3A_189 = arith.constant 32 : i32
        %mul3A_190 = arith.muli %rem3A_146, %mul3A_189 : i32
        %mul3A_191 = arith.constant 16 : i32
        %mul3A_192 = arith.muli %scan3A_170, %mul3A_191 : i32
        %add3A_193 = arith.addi %mul3A_190, %mul3A_192 : i32
        %add3A_194 = vector.broadcast %add3A_193 : i32 to vector<16xi32>
        %add3A_195 = arith.addi %add3A_194, %iota3A : vector<16xi32>
        %scan3A_196 = arith.constant 0 : i32
        %scan3A_197 = arith.constant 8 : i32
        %scan3A_198 = arith.addi %scan3A_196, %scan3A_197 : i32
        %scan3A_199 = arith.constant 1 : i32
        %scan3A_200 = scf.for %scan3A_213 = %scan3A_196 to %scan3A_198 step %scan3A_199 iter_args(%scan3A_214 = %broadcast_in_dim3A_3) -> (vector<16xf32>)  : i32 {
          %mul3A_215 = arith.constant 16 : i32
          %mul3A_216 = arith.muli %scan3A_213, %mul3A_215 : i32
          %add3A_217 = arith.constant 0 : i32
          %add3A_218 = arith.addi %mul3A_216, %add3A_217 : i32
          %add3A_219 = vector.broadcast %add3A_218 : i32 to vector<16xi32>
          %add3A_220 = arith.addi %broadcast_in_dim3A_1, %add3A_219 : vector<16xi32>
          %gather3A_221 = tpu.vector_load_idx %arg20[%and3A_182, %add3A_220] : memref<320x128xf32, #tpu.memory_space<vmem>>[vector<16xi32>, vector<16xi32>], vector<16xf32>,
          %gather3A_222 = tpu.vector_load_idx %arg23[%add3A_195, %add3A_220] : memref<64x128xf32, #tpu.memory_space<vmem>>[vector<16xi32>, vector<16xi32>], vector<16xf32>,
          %gather3A_223 = tpu.vector_load_idx %arg19[%shift_right_logical3A_184, %add3A_220] : memref<4x128xf32, #tpu.memory_space<vmem>>[vector<16xi32>, vector<16xi32>], vector<16xf32>,
          %add3A_224 = arith.addf %gather3A_222, %gather3A_223 : vector<16xf32>
          %mul3A_225 = arith.mulf %gather3A_221, %add3A_224 : vector<16xf32>
          %add3A_226 = arith.addf %scan3A_214, %mul3A_225 : vector<16xf32>
          %mul3A_227 = arith.constant 16 : i32
          %mul3A_228 = arith.muli %scan3A_213, %mul3A_227 : i32
          %add3A_229 = arith.constant 1 : i32
          %add3A_230 = arith.addi %mul3A_228, %add3A_229 : i32
          %add3A_231 = vector.broadcast %add3A_230 : i32 to vector<16xi32>
          %add3A_232 = arith.addi %broadcast_in_dim3A_1, %add3A_231 : vector<16xi32>
          %gather3A_233 = tpu.vector_load_idx %arg20[%and3A_182, %add3A_232] : memref<320x128xf32, #tpu.memory_space<vmem>>[vector<16xi32>, vector<16xi32>], vector<16xf32>,
          %gather3A_234 = tpu.vector_load_idx %arg23[%add3A_195, %add3A_232] : memref<64x128xf32, #tpu.memory_space<vmem>>[vector<16xi32>, vector<16xi32>], vector<16xf32>,
          %gather3A_235 = tpu.vector_load_idx %arg19[%shift_right_logical3A_184, %add3A_232] : memref<4x128xf32, #tpu.memory_space<vmem>>[vector<16xi32>, vector<16xi32>], vector<16xf32>,
          %add3A_236 = arith.addf %gather3A_234, %gather3A_235 : vector<16xf32>
          %mul3A_237 = arith.mulf %gather3A_233, %add3A_236 : vector<16xf32>
          %add3A_238 = arith.addf %add3A_226, %mul3A_237 : vector<16xf32>
          %mul3A_239 = arith.constant 16 : i32
          %mul3A_240 = arith.muli %scan3A_213, %mul3A_239 : i32
          %add3A_241 = arith.constant 2 : i32
          %add3A_242 = arith.addi %mul3A_240, %add3A_241 : i32
          %add3A_243 = vector.broadcast %add3A_242 : i32 to vector<16xi32>
          %add3A_244 = arith.addi %broadcast_in_dim3A_1, %add3A_243 : vector<16xi32>
          %gather3A_245 = tpu.vector_load_idx %arg20[%and3A_182, %add3A_244] : memref<320x128xf32, #tpu.memory_space<vmem>>[vector<16xi32>, vector<16xi32>], vector<16xf32>,
          %gather3A_246 = tpu.vector_load_idx %arg23[%add3A_195, %add3A_244] : memref<64x128xf32, #tpu.memory_space<vmem>>[vector<16xi32>, vector<16xi32>], vector<16xf32>,
          %gather3A_247 = tpu.vector_load_idx %arg19[%shift_right_logical3A_184, %add3A_244] : memref<4x128xf32, #tpu.memory_space<vmem>>[vector<16xi32>, vector<16xi32>], vector<16xf32>,
          %add3A_248 = arith.addf %gather3A_246, %gather3A_247 : vector<16xf32>
          %mul3A_249 = arith.mulf %gather3A_245, %add3A_248 : vector<16xf32>
          %add3A_250 = arith.addf %add3A_238, %mul3A_249 : vector<16xf32>
          %mul3A_251 = arith.constant 16 : i32
          %mul3A_252 = arith.muli %scan3A_213, %mul3A_251 : i32
          %add3A_253 = arith.constant 3 : i32
          %add3A_254 = arith.addi %mul3A_252, %add3A_253 : i32
          %add3A_255 = vector.broadcast %add3A_254 : i32 to vector<16xi32>
          %add3A_256 = arith.addi %broadcast_in_dim3A_1, %add3A_255 : vector<16xi32>
          %gather3A_257 = tpu.vector_load_idx %arg20[%and3A_182, %add3A_256] : memref<320x128xf32, #tpu.memory_space<vmem>>[vector<16xi32>, vector<16xi32>], vector<16xf32>,
          %gather3A_258 = tpu.vector_load_idx %arg23[%add3A_195, %add3A_256] : memref<64x128xf32, #tpu.memory_space<vmem>>[vector<16xi32>, vector<16xi32>], vector<16xf32>,
          %gather3A_259 = tpu.vector_load_idx %arg19[%shift_right_logical3A_184, %add3A_256] : memref<4x128xf32, #tpu.memory_space<vmem>>[vector<16xi32>, vector<16xi32>], vector<16xf32>,
          %add3A_260 = arith.addf %gather3A_258, %gather3A_259 : vector<16xf32>
          %mul3A_261 = arith.mulf %gather3A_257, %add3A_260 : vector<16xf32>
          %add3A_262 = arith.addf %add3A_250, %mul3A_261 : vector<16xf32>
          %mul3A_263 = arith.constant 16 : i32
          %mul3A_264 = arith.muli %scan3A_213, %mul3A_263 : i32
          %add3A_265 = arith.constant 4 : i32
          %add3A_266 = arith.addi %mul3A_264, %add3A_265 : i32
          %add3A_267 = vector.broadcast %add3A_266 : i32 to vector<16xi32>
          %add3A_268 = arith.addi %broadcast_in_dim3A_1, %add3A_267 : vector<16xi32>
          %gather3A_269 = tpu.vector_load_idx %arg20[%and3A_182, %add3A_268] : memref<320x128xf32, #tpu.memory_space<vmem>>[vector<16xi32>, vector<16xi32>], vector<16xf32>,
          %gather3A_270 = tpu.vector_load_idx %arg23[%add3A_195, %add3A_268] : memref<64x128xf32, #tpu.memory_space<vmem>>[vector<16xi32>, vector<16xi32>], vector<16xf32>,
          %gather3A_271 = tpu.vector_load_idx %arg19[%shift_right_logical3A_184, %add3A_268] : memref<4x128xf32, #tpu.memory_space<vmem>>[vector<16xi32>, vector<16xi32>], vector<16xf32>,
          %add3A_272 = arith.addf %gather3A_270, %gather3A_271 : vector<16xf32>
          %mul3A_273 = arith.mulf %gather3A_269, %add3A_272 : vector<16xf32>
          %add3A_274 = arith.addf %add3A_262, %mul3A_273 : vector<16xf32>
          %mul3A_275 = arith.constant 16 : i32
          %mul3A_276 = arith.muli %scan3A_213, %mul3A_275 : i32
          %add3A_277 = arith.constant 5 : i32
          %add3A_278 = arith.addi %mul3A_276, %add3A_277 : i32
          %add3A_279 = vector.broadcast %add3A_278 : i32 to vector<16xi32>
          %add3A_280 = arith.addi %broadcast_in_dim3A_1, %add3A_279 : vector<16xi32>
          %gather3A_281 = tpu.vector_load_idx %arg20[%and3A_182, %add3A_280] : memref<320x128xf32, #tpu.memory_space<vmem>>[vector<16xi32>, vector<16xi32>], vector<16xf32>,
          %gather3A_282 = tpu.vector_load_idx %arg23[%add3A_195, %add3A_280] : memref<64x128xf32, #tpu.memory_space<vmem>>[vector<16xi32>, vector<16xi32>], vector<16xf32>,
          %gather3A_283 = tpu.vector_load_idx %arg19[%shift_right_logical3A_184, %add3A_280] : memref<4x128xf32, #tpu.memory_space<vmem>>[vector<16xi32>, vector<16xi32>], vector<16xf32>,
          %add3A_284 = arith.addf %gather3A_282, %gather3A_283 : vector<16xf32>
          %mul3A_285 = arith.mulf %gather3A_281, %add3A_284 : vector<16xf32>
          %add3A_286 = arith.addf %add3A_274, %mul3A_285 : vector<16xf32>
          %mul3A_287 = arith.constant 16 : i32
          %mul3A_288 = arith.muli %scan3A_213, %mul3A_287 : i32
          %add3A_289 = arith.constant 6 : i32
          %add3A_290 = arith.addi %mul3A_288, %add3A_289 : i32
          %add3A_291 = vector.broadcast %add3A_290 : i32 to vector<16xi32>
          %add3A_292 = arith.addi %broadcast_in_dim3A_1, %add3A_291 : vector<16xi32>
          %gather3A_293 = tpu.vector_load_idx %arg20[%and3A_182, %add3A_292] : memref<320x128xf32, #tpu.memory_space<vmem>>[vector<16xi32>, vector<16xi32>], vector<16xf32>,
          %gather3A_294 = tpu.vector_load_idx %arg23[%add3A_195, %add3A_292] : memref<64x128xf32, #tpu.memory_space<vmem>>[vector<16xi32>, vector<16xi32>], vector<16xf32>,
          %gather3A_295 = tpu.vector_load_idx %arg19[%shift_right_logical3A_184, %add3A_292] : memref<4x128xf32, #tpu.memory_space<vmem>>[vector<16xi32>, vector<16xi32>], vector<16xf32>,
          %add3A_296 = arith.addf %gather3A_294, %gather3A_295 : vector<16xf32>
          %mul3A_297 = arith.mulf %gather3A_293, %add3A_296 : vector<16xf32>
          %add3A_298 = arith.addf %add3A_286, %mul3A_297 : vector<16xf32>
          %mul3A_299 = arith.constant 16 : i32
          %mul3A_300 = arith.muli %scan3A_213, %mul3A_299 : i32
          %add3A_301 = arith.constant 7 : i32
          %add3A_302 = arith.addi %mul3A_300, %add3A_301 : i32
          %add3A_303 = vector.broadcast %add3A_302 : i32 to vector<16xi32>
          %add3A_304 = arith.addi %broadcast_in_dim3A_1, %add3A_303 : vector<16xi32>
          %gather3A_305 = tpu.vector_load_idx %arg20[%and3A_182, %add3A_304] : memref<320x128xf32, #tpu.memory_space<vmem>>[vector<16xi32>, vector<16xi32>], vector<16xf32>,
          %gather3A_306 = tpu.vector_load_idx %arg23[%add3A_195, %add3A_304] : memref<64x128xf32, #tpu.memory_space<vmem>>[vector<16xi32>, vector<16xi32>], vector<16xf32>,
          %gather3A_307 = tpu.vector_load_idx %arg19[%shift_right_logical3A_184, %add3A_304] : memref<4x128xf32, #tpu.memory_space<vmem>>[vector<16xi32>, vector<16xi32>], vector<16xf32>,
          %add3A_308 = arith.addf %gather3A_306, %gather3A_307 : vector<16xf32>
          %mul3A_309 = arith.mulf %gather3A_305, %add3A_308 : vector<16xf32>
          %add3A_310 = arith.addf %add3A_298, %mul3A_309 : vector<16xf32>
          %mul3A_311 = arith.constant 16 : i32
          %mul3A_312 = arith.muli %scan3A_213, %mul3A_311 : i32
          %add3A_313 = arith.constant 8 : i32
          %add3A_314 = arith.addi %mul3A_312, %add3A_313 : i32
          %add3A_315 = vector.broadcast %add3A_314 : i32 to vector<16xi32>
          %add3A_316 = arith.addi %broadcast_in_dim3A_1, %add3A_315 : vector<16xi32>
          %gather3A_317 = tpu.vector_load_idx %arg20[%and3A_182, %add3A_316] : memref<320x128xf32, #tpu.memory_space<vmem>>[vector<16xi32>, vector<16xi32>], vector<16xf32>,
          %gather3A_318 = tpu.vector_load_idx %arg23[%add3A_195, %add3A_316] : memref<64x128xf32, #tpu.memory_space<vmem>>[vector<16xi32>, vector<16xi32>], vector<16xf32>,
          %gather3A_319 = tpu.vector_load_idx %arg19[%shift_right_logical3A_184, %add3A_316] : memref<4x128xf32, #tpu.memory_space<vmem>>[vector<16xi32>, vector<16xi32>], vector<16xf32>,
          %add3A_320 = arith.addf %gather3A_318, %gather3A_319 : vector<16xf32>
          %mul3A_321 = arith.mulf %gather3A_317, %add3A_320 : vector<16xf32>
          %add3A_322 = arith.addf %add3A_310, %mul3A_321 : vector<16xf32>
          %mul3A_323 = arith.constant 16 : i32
          %mul3A_324 = arith.muli %scan3A_213, %mul3A_323 : i32
          %add3A_325 = arith.constant 9 : i32
          %add3A_326 = arith.addi %mul3A_324, %add3A_325 : i32
          %add3A_327 = vector.broadcast %add3A_326 : i32 to vector<16xi32>
          %add3A_328 = arith.addi %broadcast_in_dim3A_1, %add3A_327 : vector<16xi32>
          %gather3A_329 = tpu.vector_load_idx %arg20[%and3A_182, %add3A_328] : memref<320x128xf32, #tpu.memory_space<vmem>>[vector<16xi32>, vector<16xi32>], vector<16xf32>,
          %gather3A_330 = tpu.vector_load_idx %arg23[%add3A_195, %add3A_328] : memref<64x128xf32, #tpu.memory_space<vmem>>[vector<16xi32>, vector<16xi32>], vector<16xf32>,
          %gather3A_331 = tpu.vector_load_idx %arg19[%shift_right_logical3A_184, %add3A_328] : memref<4x128xf32, #tpu.memory_space<vmem>>[vector<16xi32>, vector<16xi32>], vector<16xf32>,
          %add3A_332 = arith.addf %gather3A_330, %gather3A_331 : vector<16xf32>
          %mul3A_333 = arith.mulf %gather3A_329, %add3A_332 : vector<16xf32>
          %add3A_334 = arith.addf %add3A_322, %mul3A_333 : vector<16xf32>
          %mul3A_335 = arith.constant 16 : i32
          %mul3A_336 = arith.muli %scan3A_213, %mul3A_335 : i32
          %add3A_337 = arith.constant 10 : i32
          %add3A_338 = arith.addi %mul3A_336, %add3A_337 : i32
          %add3A_339 = vector.broadcast %add3A_338 : i32 to vector<16xi32>
          %add3A_340 = arith.addi %broadcast_in_dim3A_1, %add3A_339 : vector<16xi32>
          %gather3A_341 = tpu.vector_load_idx %arg20[%and3A_182, %add3A_340] : memref<320x128xf32, #tpu.memory_space<vmem>>[vector<16xi32>, vector<16xi32>], vector<16xf32>,
          %gather3A_342 = tpu.vector_load_idx %arg23[%add3A_195, %add3A_340] : memref<64x128xf32, #tpu.memory_space<vmem>>[vector<16xi32>, vector<16xi32>], vector<16xf32>,
          %gather3A_343 = tpu.vector_load_idx %arg19[%shift_right_logical3A_184, %add3A_340] : memref<4x128xf32, #tpu.memory_space<vmem>>[vector<16xi32>, vector<16xi32>], vector<16xf32>,
          %add3A_344 = arith.addf %gather3A_342, %gather3A_343 : vector<16xf32>
          %mul3A_345 = arith.mulf %gather3A_341, %add3A_344 : vector<16xf32>
          %add3A_346 = arith.addf %add3A_334, %mul3A_345 : vector<16xf32>
          %mul3A_347 = arith.constant 16 : i32
          %mul3A_348 = arith.muli %scan3A_213, %mul3A_347 : i32
          %add3A_349 = arith.constant 11 : i32
          %add3A_350 = arith.addi %mul3A_348, %add3A_349 : i32
          %add3A_351 = vector.broadcast %add3A_350 : i32 to vector<16xi32>
          %add3A_352 = arith.addi %broadcast_in_dim3A_1, %add3A_351 : vector<16xi32>
          %gather3A_353 = tpu.vector_load_idx %arg20[%and3A_182, %add3A_352] : memref<320x128xf32, #tpu.memory_space<vmem>>[vector<16xi32>, vector<16xi32>], vector<16xf32>,
          %gather3A_354 = tpu.vector_load_idx %arg23[%add3A_195, %add3A_352] : memref<64x128xf32, #tpu.memory_space<vmem>>[vector<16xi32>, vector<16xi32>], vector<16xf32>,
          %gather3A_355 = tpu.vector_load_idx %arg19[%shift_right_logical3A_184, %add3A_352] : memref<4x128xf32, #tpu.memory_space<vmem>>[vector<16xi32>, vector<16xi32>], vector<16xf32>,
          %add3A_356 = arith.addf %gather3A_354, %gather3A_355 : vector<16xf32>
          %mul3A_357 = arith.mulf %gather3A_353, %add3A_356 : vector<16xf32>
          %add3A_358 = arith.addf %add3A_346, %mul3A_357 : vector<16xf32>
          %mul3A_359 = arith.constant 16 : i32
          %mul3A_360 = arith.muli %scan3A_213, %mul3A_359 : i32
          %add3A_361 = arith.constant 12 : i32
          %add3A_362 = arith.addi %mul3A_360, %add3A_361 : i32
          %add3A_363 = vector.broadcast %add3A_362 : i32 to vector<16xi32>
          %add3A_364 = arith.addi %broadcast_in_dim3A_1, %add3A_363 : vector<16xi32>
          %gather3A_365 = tpu.vector_load_idx %arg20[%and3A_182, %add3A_364] : memref<320x128xf32, #tpu.memory_space<vmem>>[vector<16xi32>, vector<16xi32>], vector<16xf32>,
          %gather3A_366 = tpu.vector_load_idx %arg23[%add3A_195, %add3A_364] : memref<64x128xf32, #tpu.memory_space<vmem>>[vector<16xi32>, vector<16xi32>], vector<16xf32>,
          %gather3A_367 = tpu.vector_load_idx %arg19[%shift_right_logical3A_184, %add3A_364] : memref<4x128xf32, #tpu.memory_space<vmem>>[vector<16xi32>, vector<16xi32>], vector<16xf32>,
          %add3A_368 = arith.addf %gather3A_366, %gather3A_367 : vector<16xf32>
          %mul3A_369 = arith.mulf %gather3A_365, %add3A_368 : vector<16xf32>
          %add3A_370 = arith.addf %add3A_358, %mul3A_369 : vector<16xf32>
          %mul3A_371 = arith.constant 16 : i32
          %mul3A_372 = arith.muli %scan3A_213, %mul3A_371 : i32
          %add3A_373 = arith.constant 13 : i32
          %add3A_374 = arith.addi %mul3A_372, %add3A_373 : i32
          %add3A_375 = vector.broadcast %add3A_374 : i32 to vector<16xi32>
          %add3A_376 = arith.addi %broadcast_in_dim3A_1, %add3A_375 : vector<16xi32>
          %gather3A_377 = tpu.vector_load_idx %arg20[%and3A_182, %add3A_376] : memref<320x128xf32, #tpu.memory_space<vmem>>[vector<16xi32>, vector<16xi32>], vector<16xf32>,
          %gather3A_378 = tpu.vector_load_idx %arg23[%add3A_195, %add3A_376] : memref<64x128xf32, #tpu.memory_space<vmem>>[vector<16xi32>, vector<16xi32>], vector<16xf32>,
          %gather3A_379 = tpu.vector_load_idx %arg19[%shift_right_logical3A_184, %add3A_376] : memref<4x128xf32, #tpu.memory_space<vmem>>[vector<16xi32>, vector<16xi32>], vector<16xf32>,
          %add3A_380 = arith.addf %gather3A_378, %gather3A_379 : vector<16xf32>
          %mul3A_381 = arith.mulf %gather3A_377, %add3A_380 : vector<16xf32>
          %add3A_382 = arith.addf %add3A_370, %mul3A_381 : vector<16xf32>
          %mul3A_383 = arith.constant 16 : i32
          %mul3A_384 = arith.muli %scan3A_213, %mul3A_383 : i32
          %add3A_385 = arith.constant 14 : i32
          %add3A_386 = arith.addi %mul3A_384, %add3A_385 : i32
          %add3A_387 = vector.broadcast %add3A_386 : i32 to vector<16xi32>
          %add3A_388 = arith.addi %broadcast_in_dim3A_1, %add3A_387 : vector<16xi32>
          %gather3A_389 = tpu.vector_load_idx %arg20[%and3A_182, %add3A_388] : memref<320x128xf32, #tpu.memory_space<vmem>>[vector<16xi32>, vector<16xi32>], vector<16xf32>,
          %gather3A_390 = tpu.vector_load_idx %arg23[%add3A_195, %add3A_388] : memref<64x128xf32, #tpu.memory_space<vmem>>[vector<16xi32>, vector<16xi32>], vector<16xf32>,
          %gather3A_391 = tpu.vector_load_idx %arg19[%shift_right_logical3A_184, %add3A_388] : memref<4x128xf32, #tpu.memory_space<vmem>>[vector<16xi32>, vector<16xi32>], vector<16xf32>,
          %add3A_392 = arith.addf %gather3A_390, %gather3A_391 : vector<16xf32>
          %mul3A_393 = arith.mulf %gather3A_389, %add3A_392 : vector<16xf32>
          %add3A_394 = arith.addf %add3A_382, %mul3A_393 : vector<16xf32>
          %mul3A_395 = arith.constant 16 : i32
          %mul3A_396 = arith.muli %scan3A_213, %mul3A_395 : i32
          %add3A_397 = arith.constant 15 : i32
          %add3A_398 = arith.addi %mul3A_396, %add3A_397 : i32
          %add3A_399 = vector.broadcast %add3A_398 : i32 to vector<16xi32>
          %add3A_400 = arith.addi %broadcast_in_dim3A_1, %add3A_399 : vector<16xi32>
          %gather3A_401 = tpu.vector_load_idx %arg20[%and3A_182, %add3A_400] : memref<320x128xf32, #tpu.memory_space<vmem>>[vector<16xi32>, vector<16xi32>], vector<16xf32>,
          %gather3A_402 = tpu.vector_load_idx %arg23[%add3A_195, %add3A_400] : memref<64x128xf32, #tpu.memory_space<vmem>>[vector<16xi32>, vector<16xi32>], vector<16xf32>,
          %gather3A_403 = tpu.vector_load_idx %arg19[%shift_right_logical3A_184, %add3A_400] : memref<4x128xf32, #tpu.memory_space<vmem>>[vector<16xi32>, vector<16xi32>], vector<16xf32>,
          %add3A_404 = arith.addf %gather3A_402, %gather3A_403 : vector<16xf32>
          %mul3A_405 = arith.mulf %gather3A_401, %add3A_404 : vector<16xf32>
          %add3A_406 = arith.addf %add3A_394, %mul3A_405 : vector<16xf32>
          scf.yield %add3A_406 : vector<16xf32>
        }
        %scan3A_201 = arith.constant 8 : i32
        %exp3A = math.exp %scan3A_200 : vector<16xf32>
        %jit3A_202 = arith.constant 0.000000e+00 : f32
        %broadcast_in_dim3A_203 = vector.broadcast %jit3A_202 : f32 to vector<16xf32>
        %select_n3A_204 = arith.select %lt3A_188, %exp3A, %broadcast_in_dim3A_203 : vector<16xi1>, vector<16xf32>
        %gather3A = tpu.vector_load_idx %arg17[%get3A_179] : memref<10000xf32, #tpu.memory_space<vmem>>[vector<16xi32>], vector<16xf32>,
        %shift_right_logical3A_205 = arith.constant 4 : i32
        %shift_right_logical3A_206 = vector.broadcast %shift_right_logical3A_205 : i32 to vector<16xi32>
        %shift_right_logical3A_207 = arith.shrui %and3A_182, %shift_right_logical3A_206 : vector<16xi32>
        %and3A_208 = arith.constant 15 : i32
        %and3A_209 = vector.broadcast %and3A_208 : i32 to vector<16xi32>
        %and3A_210 = arith.andi %and3A_182, %and3A_209 : vector<16xi32>
        tpu.vector_store_idx %arg24[%shift_right_logical3A_207, %and3A_210], %select_n3A_204 masked %lt3A_188 {add = true} : memref<20x16xf32, #tpu.memory_space<vmem>>[vector<16xi32>, vector<16xi32>], vector<16xf32>, vector<16xi1>
        %mul3A_211 = arith.mulf %gather3A, %select_n3A_204 : vector<16xf32>
        tpu.vector_store_idx %arg25[%shift_right_logical3A_207, %and3A_210], %mul3A_211 masked %lt3A_188 {add = true} : memref<20x16xf32, #tpu.memory_space<vmem>>[vector<16xi32>, vector<16xi32>], vector<16xf32>, vector<16xi1>
        %scan3A_212 = arith.constant 0 : i32
        scf.yield %scan3A_212 : i32
      }
      %scan3A_163 = arith.constant 2 : i32
      %add3A_164 = arith.constant 2 : i32
      %add3A_165 = arith.addi %while3A_143, %add3A_164 : i32
      %lt3A = arith.cmpi slt, %add3A_165, %select_n3A : i32
      %convert_element_type3A_166 = arith.extui %lt3A : i1 to i32
      %cond3A_167 = arith.constant 0 : i32
      %cond3A_168 = arith.cmpi ne, %convert_element_type3A_166, %cond3A_167 : i32
      scf.if %cond3A_168 {
        %eq3A_170 = arith.constant 0 : i32
        %eq3A_171 = arith.cmpi eq, %rem3A_146, %eq3A_170 : i32
        %convert_element_type3A_172 = arith.extui %eq3A_171 : i1 to i32
        %cond3A_173 = arith.constant 0 : i32
        %cond3A_174 = arith.cmpi ne, %convert_element_type3A_172, %cond3A_173 : i32
        scf.if %cond3A_174 {
          %add3A_180 = arith.constant 2 : i32
          %add3A_181 = arith.addi %while3A_143, %add3A_180 : i32
          %mul3A_182 = arith.constant 32 : i32
          %mul3A_183 = arith.muli %add3A_181, %mul3A_182 : i32
          %dma_start3A_184 = arith.constant 0 : i32
          %dma_start3A_185 = arith.constant 0 : i32
          %dma_start3A_186 = tpu.memref_slice %arg23[%dma_start3A_184, %dma_start3A_185] : memref<64x128xf32, #tpu.memory_space<vmem>> -> memref<32x128xf32, #tpu.memory_space<vmem>>
          %dma_start3A_187 = tpu.memref_slice %arg21[%mul3A_183] : memref<10032xi32, #tpu.memory_space<vmem>> -> memref<32xi32, #tpu.memory_space<vmem>>
          %dma_start3A_188 = arith.constant 0 : i32
          %dma_start3A_189 = arith.constant 0 : i32
          %dma_start3A_190 = tpu.memref_slice %arg8[%dma_start3A_188, %dma_start3A_189] : memref<10000x128xf32, #tpu.memory_space<hbm>> -> memref<10000x128xf32, #tpu.memory_space<hbm>>
          tpu.enqueue_indirect_dma source(%dma_start3A_190 : memref<10000x128xf32, #tpu.memory_space<hbm>>) target(%dma_start3A_186 : memref<32x128xf32, #tpu.memory_space<vmem>>) offsets(%dma_start3A_187 : memref<32xi32, #tpu.memory_space<vmem>>) semaphore(%arg30 : memref<!tpu.dma_semaphore, #tpu.memory_space<semaphore_mem>>)
        } else {
        }
        %eq3A_175 = arith.constant 1 : i32
        %eq3A_176 = arith.cmpi eq, %rem3A_146, %eq3A_175 : i32
        %convert_element_type3A_177 = arith.extui %eq3A_176 : i1 to i32
        %cond3A_178 = arith.constant 0 : i32
        %cond3A_179 = arith.cmpi ne, %convert_element_type3A_177, %cond3A_178 : i32
        scf.if %cond3A_179 {
          %add3A_180 = arith.constant 2 : i32
          %add3A_181 = arith.addi %while3A_143, %add3A_180 : i32
          %mul3A_182 = arith.constant 32 : i32
          %mul3A_183 = arith.muli %add3A_181, %mul3A_182 : i32
          %dma_start3A_184 = arith.constant 32 : i32
          %dma_start3A_185 = arith.constant 0 : i32
          %dma_start3A_186 = tpu.memref_slice %arg23[%dma_start3A_184, %dma_start3A_185] : memref<64x128xf32, #tpu.memory_space<vmem>> -> memref<32x128xf32, #tpu.memory_space<vmem>>
          %dma_start3A_187 = tpu.memref_slice %arg21[%mul3A_183] : memref<10032xi32, #tpu.memory_space<vmem>> -> memref<32xi32, #tpu.memory_space<vmem>>
          %dma_start3A_188 = arith.constant 0 : i32
          %dma_start3A_189 = arith.constant 0 : i32
          %dma_start3A_190 = tpu.memref_slice %arg8[%dma_start3A_188, %dma_start3A_189] : memref<10000x128xf32, #tpu.memory_space<hbm>> -> memref<10000x128xf32, #tpu.memory_space<hbm>>
          tpu.enqueue_indirect_dma source(%dma_start3A_190 : memref<10000x128xf32, #tpu.memory_space<hbm>>) target(%dma_start3A_186 : memref<32x128xf32, #tpu.memory_space<vmem>>) offsets(%dma_start3A_187 : memref<32xi32, #tpu.memory_space<vmem>>) semaphore(%arg31 : memref<!tpu.dma_semaphore, #tpu.memory_space<semaphore_mem>>)
        } else {
        }
      } else {
      }
      %while3A_169 = arith.constant 0 : i32
      scf.yield %while3A_169 : i32
    }
    %while3A_137 = arith.constant 1 : i32
    %while3A_138 = scf.for %while3A_143 = %while3A_134 to %while3A_130 step %while3A_137 iter_args(%while3A_144 = %while3A_136) -> (i32)  : i32 {
      %rem3A_145 = arith.constant 2 : i32
      %rem3A_146 = arith.remsi %while3A_143, %rem3A_145 : i32
      %eq3A_147 = arith.constant 0 : i32
      %eq3A_148 = arith.cmpi eq, %rem3A_146, %eq3A_147 : i32
      %convert_element_type3A_149 = arith.extui %eq3A_148 : i1 to i32
      %cond3A_150 = arith.constant 0 : i32
      %cond3A_151 = arith.cmpi ne, %convert_element_type3A_149, %cond3A_150 : i32
      scf.if %cond3A_151 {
        %mul3A_170 = arith.constant 32 : i32
        %mul3A_171 = arith.muli %while3A_143, %mul3A_170 : i32
        %dma_wait3A_172 = arith.constant 0 : i32
        %dma_wait3A_173 = arith.constant 0 : i32
        %dma_wait3A_174 = tpu.memref_slice %arg23[%dma_wait3A_172, %dma_wait3A_173] : memref<64x128xf32, #tpu.memory_space<vmem>> -> memref<32x128xf32, #tpu.memory_space<vmem>>
        %dma_wait3A_175 = tpu.memref_slice %arg21[%mul3A_171] : memref<10032xi32, #tpu.memory_space<vmem>> -> memref<32xi32, #tpu.memory_space<vmem>>
        %dma_wait3A_176 = arith.constant 0 : i32
        %dma_wait3A_177 = arith.constant 0 : i32
        %dma_wait3A_178 = tpu.memref_slice %arg8[%dma_wait3A_176, %dma_wait3A_177] : memref<10000x128xf32, #tpu.memory_space<hbm>> -> memref<10000x128xf32, #tpu.memory_space<hbm>>
        tpu.wait_indirect_dma semaphore(%arg30 : memref<!tpu.dma_semaphore, #tpu.memory_space<semaphore_mem>>) src(%dma_wait3A_178 : memref<10000x128xf32, #tpu.memory_space<hbm>>) dst(%dma_wait3A_174 : memref<32x128xf32, #tpu.memory_space<vmem>>)
      } else {
      }
      %eq3A_152 = arith.constant 1 : i32
      %eq3A_153 = arith.cmpi eq, %rem3A_146, %eq3A_152 : i32
      %convert_element_type3A_154 = arith.extui %eq3A_153 : i1 to i32
      %cond3A_155 = arith.constant 0 : i32
      %cond3A_156 = arith.cmpi ne, %convert_element_type3A_154, %cond3A_155 : i32
      scf.if %cond3A_156 {
        %mul3A_170 = arith.constant 32 : i32
        %mul3A_171 = arith.muli %while3A_143, %mul3A_170 : i32
        %dma_wait3A_172 = arith.constant 32 : i32
        %dma_wait3A_173 = arith.constant 0 : i32
        %dma_wait3A_174 = tpu.memref_slice %arg23[%dma_wait3A_172, %dma_wait3A_173] : memref<64x128xf32, #tpu.memory_space<vmem>> -> memref<32x128xf32, #tpu.memory_space<vmem>>
        %dma_wait3A_175 = tpu.memref_slice %arg21[%mul3A_171] : memref<10032xi32, #tpu.memory_space<vmem>> -> memref<32xi32, #tpu.memory_space<vmem>>
        %dma_wait3A_176 = arith.constant 0 : i32
        %dma_wait3A_177 = arith.constant 0 : i32
        %dma_wait3A_178 = tpu.memref_slice %arg8[%dma_wait3A_176, %dma_wait3A_177] : memref<10000x128xf32, #tpu.memory_space<hbm>> -> memref<10000x128xf32, #tpu.memory_space<hbm>>
        tpu.wait_indirect_dma semaphore(%arg31 : memref<!tpu.dma_semaphore, #tpu.memory_space<semaphore_mem>>) src(%dma_wait3A_178 : memref<10000x128xf32, #tpu.memory_space<hbm>>) dst(%dma_wait3A_174 : memref<32x128xf32, #tpu.memory_space<vmem>>)
      } else {
      }
      %scan3A_157 = arith.constant 0 : i32
      %scan3A_158 = arith.constant 0 : i32
      %scan3A_159 = arith.constant 2 : i32
      %scan3A_160 = arith.addi %scan3A_158, %scan3A_159 : i32
      %scan3A_161 = arith.constant 1 : i32
      %scan3A_162 = scf.for %scan3A_170 = %scan3A_158 to %scan3A_160 step %scan3A_161 iter_args(%scan3A_171 = %scan3A_157) -> (i32)  : i32 {
        %mul3A_172 = arith.constant 32 : i32
        %mul3A_173 = arith.muli %while3A_143, %mul3A_172 : i32
        %mul3A_174 = arith.constant 16 : i32
        %mul3A_175 = arith.muli %scan3A_170, %mul3A_174 : i32
        %add3A_176 = arith.addi %mul3A_173, %mul3A_175 : i32
        %get3A = arith.index_cast %add3A_176 : i32 to index
        %get3A_177 = tpu.vector_load %arg22[%get3A] {strides = array<i32>} : memref<10032xi32, #tpu.memory_space<vmem>>, vector<16xi32>,
        %get3A_178 = arith.index_cast %add3A_176 : i32 to index
        %get3A_179 = tpu.vector_load %arg21[%get3A_178] {strides = array<i32>} : memref<10032xi32, #tpu.memory_space<vmem>>, vector<16xi32>,
        %and3A_180 = arith.constant 511 : i32
        %and3A_181 = vector.broadcast %and3A_180 : i32 to vector<16xi32>
        %and3A_182 = arith.andi %get3A_177, %and3A_181 : vector<16xi32>
        %shift_right_logical3A = arith.constant 9 : i32
        %shift_right_logical3A_183 = vector.broadcast %shift_right_logical3A : i32 to vector<16xi32>
        %shift_right_logical3A_184 = arith.shrui %get3A_177, %shift_right_logical3A_183 : vector<16xi32>
        %add3A_185 = vector.broadcast %add3A_176 : i32 to vector<16xi32>
        %add3A_186 = arith.addi %add3A_185, %iota3A : vector<16xi32>
        %lt3A_187 = vector.broadcast %squeeze3A : i32 to vector<16xi32>
        %lt3A_188 = arith.cmpi slt, %add3A_186, %lt3A_187 : vector<16xi32>
        %mul3A_189 = arith.constant 32 : i32
        %mul3A_190 = arith.muli %rem3A_146, %mul3A_189 : i32
        %mul3A_191 = arith.constant 16 : i32
        %mul3A_192 = arith.muli %scan3A_170, %mul3A_191 : i32
        %add3A_193 = arith.addi %mul3A_190, %mul3A_192 : i32
        %add3A_194 = vector.broadcast %add3A_193 : i32 to vector<16xi32>
        %add3A_195 = arith.addi %add3A_194, %iota3A : vector<16xi32>
        %scan3A_196 = arith.constant 0 : i32
        %scan3A_197 = arith.constant 8 : i32
        %scan3A_198 = arith.addi %scan3A_196, %scan3A_197 : i32
        %scan3A_199 = arith.constant 1 : i32
        %scan3A_200 = scf.for %scan3A_213 = %scan3A_196 to %scan3A_198 step %scan3A_199 iter_args(%scan3A_214 = %broadcast_in_dim3A_3) -> (vector<16xf32>)  : i32 {
          %mul3A_215 = arith.constant 16 : i32
          %mul3A_216 = arith.muli %scan3A_213, %mul3A_215 : i32
          %add3A_217 = arith.constant 0 : i32
          %add3A_218 = arith.addi %mul3A_216, %add3A_217 : i32
          %add3A_219 = vector.broadcast %add3A_218 : i32 to vector<16xi32>
          %add3A_220 = arith.addi %broadcast_in_dim3A_1, %add3A_219 : vector<16xi32>
          %gather3A_221 = tpu.vector_load_idx %arg20[%and3A_182, %add3A_220] : memref<320x128xf32, #tpu.memory_space<vmem>>[vector<16xi32>, vector<16xi32>], vector<16xf32>,
          %gather3A_222 = tpu.vector_load_idx %arg23[%add3A_195, %add3A_220] : memref<64x128xf32, #tpu.memory_space<vmem>>[vector<16xi32>, vector<16xi32>], vector<16xf32>,
          %gather3A_223 = tpu.vector_load_idx %arg19[%shift_right_logical3A_184, %add3A_220] : memref<4x128xf32, #tpu.memory_space<vmem>>[vector<16xi32>, vector<16xi32>], vector<16xf32>,
          %add3A_224 = arith.addf %gather3A_222, %gather3A_223 : vector<16xf32>
          %mul3A_225 = arith.mulf %gather3A_221, %add3A_224 : vector<16xf32>
          %add3A_226 = arith.addf %scan3A_214, %mul3A_225 : vector<16xf32>
          %mul3A_227 = arith.constant 16 : i32
          %mul3A_228 = arith.muli %scan3A_213, %mul3A_227 : i32
          %add3A_229 = arith.constant 1 : i32
          %add3A_230 = arith.addi %mul3A_228, %add3A_229 : i32
          %add3A_231 = vector.broadcast %add3A_230 : i32 to vector<16xi32>
          %add3A_232 = arith.addi %broadcast_in_dim3A_1, %add3A_231 : vector<16xi32>
          %gather3A_233 = tpu.vector_load_idx %arg20[%and3A_182, %add3A_232] : memref<320x128xf32, #tpu.memory_space<vmem>>[vector<16xi32>, vector<16xi32>], vector<16xf32>,
          %gather3A_234 = tpu.vector_load_idx %arg23[%add3A_195, %add3A_232] : memref<64x128xf32, #tpu.memory_space<vmem>>[vector<16xi32>, vector<16xi32>], vector<16xf32>,
          %gather3A_235 = tpu.vector_load_idx %arg19[%shift_right_logical3A_184, %add3A_232] : memref<4x128xf32, #tpu.memory_space<vmem>>[vector<16xi32>, vector<16xi32>], vector<16xf32>,
          %add3A_236 = arith.addf %gather3A_234, %gather3A_235 : vector<16xf32>
          %mul3A_237 = arith.mulf %gather3A_233, %add3A_236 : vector<16xf32>
          %add3A_238 = arith.addf %add3A_226, %mul3A_237 : vector<16xf32>
          %mul3A_239 = arith.constant 16 : i32
          %mul3A_240 = arith.muli %scan3A_213, %mul3A_239 : i32
          %add3A_241 = arith.constant 2 : i32
          %add3A_242 = arith.addi %mul3A_240, %add3A_241 : i32
          %add3A_243 = vector.broadcast %add3A_242 : i32 to vector<16xi32>
          %add3A_244 = arith.addi %broadcast_in_dim3A_1, %add3A_243 : vector<16xi32>
          %gather3A_245 = tpu.vector_load_idx %arg20[%and3A_182, %add3A_244] : memref<320x128xf32, #tpu.memory_space<vmem>>[vector<16xi32>, vector<16xi32>], vector<16xf32>,
          %gather3A_246 = tpu.vector_load_idx %arg23[%add3A_195, %add3A_244] : memref<64x128xf32, #tpu.memory_space<vmem>>[vector<16xi32>, vector<16xi32>], vector<16xf32>,
          %gather3A_247 = tpu.vector_load_idx %arg19[%shift_right_logical3A_184, %add3A_244] : memref<4x128xf32, #tpu.memory_space<vmem>>[vector<16xi32>, vector<16xi32>], vector<16xf32>,
          %add3A_248 = arith.addf %gather3A_246, %gather3A_247 : vector<16xf32>
          %mul3A_249 = arith.mulf %gather3A_245, %add3A_248 : vector<16xf32>
          %add3A_250 = arith.addf %add3A_238, %mul3A_249 : vector<16xf32>
          %mul3A_251 = arith.constant 16 : i32
          %mul3A_252 = arith.muli %scan3A_213, %mul3A_251 : i32
          %add3A_253 = arith.constant 3 : i32
          %add3A_254 = arith.addi %mul3A_252, %add3A_253 : i32
          %add3A_255 = vector.broadcast %add3A_254 : i32 to vector<16xi32>
          %add3A_256 = arith.addi %broadcast_in_dim3A_1, %add3A_255 : vector<16xi32>
          %gather3A_257 = tpu.vector_load_idx %arg20[%and3A_182, %add3A_256] : memref<320x128xf32, #tpu.memory_space<vmem>>[vector<16xi32>, vector<16xi32>], vector<16xf32>,
          %gather3A_258 = tpu.vector_load_idx %arg23[%add3A_195, %add3A_256] : memref<64x128xf32, #tpu.memory_space<vmem>>[vector<16xi32>, vector<16xi32>], vector<16xf32>,
          %gather3A_259 = tpu.vector_load_idx %arg19[%shift_right_logical3A_184, %add3A_256] : memref<4x128xf32, #tpu.memory_space<vmem>>[vector<16xi32>, vector<16xi32>], vector<16xf32>,
          %add3A_260 = arith.addf %gather3A_258, %gather3A_259 : vector<16xf32>
          %mul3A_261 = arith.mulf %gather3A_257, %add3A_260 : vector<16xf32>
          %add3A_262 = arith.addf %add3A_250, %mul3A_261 : vector<16xf32>
          %mul3A_263 = arith.constant 16 : i32
          %mul3A_264 = arith.muli %scan3A_213, %mul3A_263 : i32
          %add3A_265 = arith.constant 4 : i32
          %add3A_266 = arith.addi %mul3A_264, %add3A_265 : i32
          %add3A_267 = vector.broadcast %add3A_266 : i32 to vector<16xi32>
          %add3A_268 = arith.addi %broadcast_in_dim3A_1, %add3A_267 : vector<16xi32>
          %gather3A_269 = tpu.vector_load_idx %arg20[%and3A_182, %add3A_268] : memref<320x128xf32, #tpu.memory_space<vmem>>[vector<16xi32>, vector<16xi32>], vector<16xf32>,
          %gather3A_270 = tpu.vector_load_idx %arg23[%add3A_195, %add3A_268] : memref<64x128xf32, #tpu.memory_space<vmem>>[vector<16xi32>, vector<16xi32>], vector<16xf32>,
          %gather3A_271 = tpu.vector_load_idx %arg19[%shift_right_logical3A_184, %add3A_268] : memref<4x128xf32, #tpu.memory_space<vmem>>[vector<16xi32>, vector<16xi32>], vector<16xf32>,
          %add3A_272 = arith.addf %gather3A_270, %gather3A_271 : vector<16xf32>
          %mul3A_273 = arith.mulf %gather3A_269, %add3A_272 : vector<16xf32>
          %add3A_274 = arith.addf %add3A_262, %mul3A_273 : vector<16xf32>
          %mul3A_275 = arith.constant 16 : i32
          %mul3A_276 = arith.muli %scan3A_213, %mul3A_275 : i32
          %add3A_277 = arith.constant 5 : i32
          %add3A_278 = arith.addi %mul3A_276, %add3A_277 : i32
          %add3A_279 = vector.broadcast %add3A_278 : i32 to vector<16xi32>
          %add3A_280 = arith.addi %broadcast_in_dim3A_1, %add3A_279 : vector<16xi32>
          %gather3A_281 = tpu.vector_load_idx %arg20[%and3A_182, %add3A_280] : memref<320x128xf32, #tpu.memory_space<vmem>>[vector<16xi32>, vector<16xi32>], vector<16xf32>,
          %gather3A_282 = tpu.vector_load_idx %arg23[%add3A_195, %add3A_280] : memref<64x128xf32, #tpu.memory_space<vmem>>[vector<16xi32>, vector<16xi32>], vector<16xf32>,
          %gather3A_283 = tpu.vector_load_idx %arg19[%shift_right_logical3A_184, %add3A_280] : memref<4x128xf32, #tpu.memory_space<vmem>>[vector<16xi32>, vector<16xi32>], vector<16xf32>,
          %add3A_284 = arith.addf %gather3A_282, %gather3A_283 : vector<16xf32>
          %mul3A_285 = arith.mulf %gather3A_281, %add3A_284 : vector<16xf32>
          %add3A_286 = arith.addf %add3A_274, %mul3A_285 : vector<16xf32>
          %mul3A_287 = arith.constant 16 : i32
          %mul3A_288 = arith.muli %scan3A_213, %mul3A_287 : i32
          %add3A_289 = arith.constant 6 : i32
          %add3A_290 = arith.addi %mul3A_288, %add3A_289 : i32
          %add3A_291 = vector.broadcast %add3A_290 : i32 to vector<16xi32>
          %add3A_292 = arith.addi %broadcast_in_dim3A_1, %add3A_291 : vector<16xi32>
          %gather3A_293 = tpu.vector_load_idx %arg20[%and3A_182, %add3A_292] : memref<320x128xf32, #tpu.memory_space<vmem>>[vector<16xi32>, vector<16xi32>], vector<16xf32>,
          %gather3A_294 = tpu.vector_load_idx %arg23[%add3A_195, %add3A_292] : memref<64x128xf32, #tpu.memory_space<vmem>>[vector<16xi32>, vector<16xi32>], vector<16xf32>,
          %gather3A_295 = tpu.vector_load_idx %arg19[%shift_right_logical3A_184, %add3A_292] : memref<4x128xf32, #tpu.memory_space<vmem>>[vector<16xi32>, vector<16xi32>], vector<16xf32>,
          %add3A_296 = arith.addf %gather3A_294, %gather3A_295 : vector<16xf32>
          %mul3A_297 = arith.mulf %gather3A_293, %add3A_296 : vector<16xf32>
          %add3A_298 = arith.addf %add3A_286, %mul3A_297 : vector<16xf32>
          %mul3A_299 = arith.constant 16 : i32
          %mul3A_300 = arith.muli %scan3A_213, %mul3A_299 : i32
          %add3A_301 = arith.constant 7 : i32
          %add3A_302 = arith.addi %mul3A_300, %add3A_301 : i32
          %add3A_303 = vector.broadcast %add3A_302 : i32 to vector<16xi32>
          %add3A_304 = arith.addi %broadcast_in_dim3A_1, %add3A_303 : vector<16xi32>
          %gather3A_305 = tpu.vector_load_idx %arg20[%and3A_182, %add3A_304] : memref<320x128xf32, #tpu.memory_space<vmem>>[vector<16xi32>, vector<16xi32>], vector<16xf32>,
          %gather3A_306 = tpu.vector_load_idx %arg23[%add3A_195, %add3A_304] : memref<64x128xf32, #tpu.memory_space<vmem>>[vector<16xi32>, vector<16xi32>], vector<16xf32>,
          %gather3A_307 = tpu.vector_load_idx %arg19[%shift_right_logical3A_184, %add3A_304] : memref<4x128xf32, #tpu.memory_space<vmem>>[vector<16xi32>, vector<16xi32>], vector<16xf32>,
          %add3A_308 = arith.addf %gather3A_306, %gather3A_307 : vector<16xf32>
          %mul3A_309 = arith.mulf %gather3A_305, %add3A_308 : vector<16xf32>
          %add3A_310 = arith.addf %add3A_298, %mul3A_309 : vector<16xf32>
          %mul3A_311 = arith.constant 16 : i32
          %mul3A_312 = arith.muli %scan3A_213, %mul3A_311 : i32
          %add3A_313 = arith.constant 8 : i32
          %add3A_314 = arith.addi %mul3A_312, %add3A_313 : i32
          %add3A_315 = vector.broadcast %add3A_314 : i32 to vector<16xi32>
          %add3A_316 = arith.addi %broadcast_in_dim3A_1, %add3A_315 : vector<16xi32>
          %gather3A_317 = tpu.vector_load_idx %arg20[%and3A_182, %add3A_316] : memref<320x128xf32, #tpu.memory_space<vmem>>[vector<16xi32>, vector<16xi32>], vector<16xf32>,
          %gather3A_318 = tpu.vector_load_idx %arg23[%add3A_195, %add3A_316] : memref<64x128xf32, #tpu.memory_space<vmem>>[vector<16xi32>, vector<16xi32>], vector<16xf32>,
          %gather3A_319 = tpu.vector_load_idx %arg19[%shift_right_logical3A_184, %add3A_316] : memref<4x128xf32, #tpu.memory_space<vmem>>[vector<16xi32>, vector<16xi32>], vector<16xf32>,
          %add3A_320 = arith.addf %gather3A_318, %gather3A_319 : vector<16xf32>
          %mul3A_321 = arith.mulf %gather3A_317, %add3A_320 : vector<16xf32>
          %add3A_322 = arith.addf %add3A_310, %mul3A_321 : vector<16xf32>
          %mul3A_323 = arith.constant 16 : i32
          %mul3A_324 = arith.muli %scan3A_213, %mul3A_323 : i32
          %add3A_325 = arith.constant 9 : i32
          %add3A_326 = arith.addi %mul3A_324, %add3A_325 : i32
          %add3A_327 = vector.broadcast %add3A_326 : i32 to vector<16xi32>
          %add3A_328 = arith.addi %broadcast_in_dim3A_1, %add3A_327 : vector<16xi32>
          %gather3A_329 = tpu.vector_load_idx %arg20[%and3A_182, %add3A_328] : memref<320x128xf32, #tpu.memory_space<vmem>>[vector<16xi32>, vector<16xi32>], vector<16xf32>,
          %gather3A_330 = tpu.vector_load_idx %arg23[%add3A_195, %add3A_328] : memref<64x128xf32, #tpu.memory_space<vmem>>[vector<16xi32>, vector<16xi32>], vector<16xf32>,
          %gather3A_331 = tpu.vector_load_idx %arg19[%shift_right_logical3A_184, %add3A_328] : memref<4x128xf32, #tpu.memory_space<vmem>>[vector<16xi32>, vector<16xi32>], vector<16xf32>,
          %add3A_332 = arith.addf %gather3A_330, %gather3A_331 : vector<16xf32>
          %mul3A_333 = arith.mulf %gather3A_329, %add3A_332 : vector<16xf32>
          %add3A_334 = arith.addf %add3A_322, %mul3A_333 : vector<16xf32>
          %mul3A_335 = arith.constant 16 : i32
          %mul3A_336 = arith.muli %scan3A_213, %mul3A_335 : i32
          %add3A_337 = arith.constant 10 : i32
          %add3A_338 = arith.addi %mul3A_336, %add3A_337 : i32
          %add3A_339 = vector.broadcast %add3A_338 : i32 to vector<16xi32>
          %add3A_340 = arith.addi %broadcast_in_dim3A_1, %add3A_339 : vector<16xi32>
          %gather3A_341 = tpu.vector_load_idx %arg20[%and3A_182, %add3A_340] : memref<320x128xf32, #tpu.memory_space<vmem>>[vector<16xi32>, vector<16xi32>], vector<16xf32>,
          %gather3A_342 = tpu.vector_load_idx %arg23[%add3A_195, %add3A_340] : memref<64x128xf32, #tpu.memory_space<vmem>>[vector<16xi32>, vector<16xi32>], vector<16xf32>,
          %gather3A_343 = tpu.vector_load_idx %arg19[%shift_right_logical3A_184, %add3A_340] : memref<4x128xf32, #tpu.memory_space<vmem>>[vector<16xi32>, vector<16xi32>], vector<16xf32>,
          %add3A_344 = arith.addf %gather3A_342, %gather3A_343 : vector<16xf32>
          %mul3A_345 = arith.mulf %gather3A_341, %add3A_344 : vector<16xf32>
          %add3A_346 = arith.addf %add3A_334, %mul3A_345 : vector<16xf32>
          %mul3A_347 = arith.constant 16 : i32
          %mul3A_348 = arith.muli %scan3A_213, %mul3A_347 : i32
          %add3A_349 = arith.constant 11 : i32
          %add3A_350 = arith.addi %mul3A_348, %add3A_349 : i32
          %add3A_351 = vector.broadcast %add3A_350 : i32 to vector<16xi32>
          %add3A_352 = arith.addi %broadcast_in_dim3A_1, %add3A_351 : vector<16xi32>
          %gather3A_353 = tpu.vector_load_idx %arg20[%and3A_182, %add3A_352] : memref<320x128xf32, #tpu.memory_space<vmem>>[vector<16xi32>, vector<16xi32>], vector<16xf32>,
          %gather3A_354 = tpu.vector_load_idx %arg23[%add3A_195, %add3A_352] : memref<64x128xf32, #tpu.memory_space<vmem>>[vector<16xi32>, vector<16xi32>], vector<16xf32>,
          %gather3A_355 = tpu.vector_load_idx %arg19[%shift_right_logical3A_184, %add3A_352] : memref<4x128xf32, #tpu.memory_space<vmem>>[vector<16xi32>, vector<16xi32>], vector<16xf32>,
          %add3A_356 = arith.addf %gather3A_354, %gather3A_355 : vector<16xf32>
          %mul3A_357 = arith.mulf %gather3A_353, %add3A_356 : vector<16xf32>
          %add3A_358 = arith.addf %add3A_346, %mul3A_357 : vector<16xf32>
          %mul3A_359 = arith.constant 16 : i32
          %mul3A_360 = arith.muli %scan3A_213, %mul3A_359 : i32
          %add3A_361 = arith.constant 12 : i32
          %add3A_362 = arith.addi %mul3A_360, %add3A_361 : i32
          %add3A_363 = vector.broadcast %add3A_362 : i32 to vector<16xi32>
          %add3A_364 = arith.addi %broadcast_in_dim3A_1, %add3A_363 : vector<16xi32>
          %gather3A_365 = tpu.vector_load_idx %arg20[%and3A_182, %add3A_364] : memref<320x128xf32, #tpu.memory_space<vmem>>[vector<16xi32>, vector<16xi32>], vector<16xf32>,
          %gather3A_366 = tpu.vector_load_idx %arg23[%add3A_195, %add3A_364] : memref<64x128xf32, #tpu.memory_space<vmem>>[vector<16xi32>, vector<16xi32>], vector<16xf32>,
          %gather3A_367 = tpu.vector_load_idx %arg19[%shift_right_logical3A_184, %add3A_364] : memref<4x128xf32, #tpu.memory_space<vmem>>[vector<16xi32>, vector<16xi32>], vector<16xf32>,
          %add3A_368 = arith.addf %gather3A_366, %gather3A_367 : vector<16xf32>
          %mul3A_369 = arith.mulf %gather3A_365, %add3A_368 : vector<16xf32>
          %add3A_370 = arith.addf %add3A_358, %mul3A_369 : vector<16xf32>
          %mul3A_371 = arith.constant 16 : i32
          %mul3A_372 = arith.muli %scan3A_213, %mul3A_371 : i32
          %add3A_373 = arith.constant 13 : i32
          %add3A_374 = arith.addi %mul3A_372, %add3A_373 : i32
          %add3A_375 = vector.broadcast %add3A_374 : i32 to vector<16xi32>
          %add3A_376 = arith.addi %broadcast_in_dim3A_1, %add3A_375 : vector<16xi32>
          %gather3A_377 = tpu.vector_load_idx %arg20[%and3A_182, %add3A_376] : memref<320x128xf32, #tpu.memory_space<vmem>>[vector<16xi32>, vector<16xi32>], vector<16xf32>,
          %gather3A_378 = tpu.vector_load_idx %arg23[%add3A_195, %add3A_376] : memref<64x128xf32, #tpu.memory_space<vmem>>[vector<16xi32>, vector<16xi32>], vector<16xf32>,
          %gather3A_379 = tpu.vector_load_idx %arg19[%shift_right_logical3A_184, %add3A_376] : memref<4x128xf32, #tpu.memory_space<vmem>>[vector<16xi32>, vector<16xi32>], vector<16xf32>,
          %add3A_380 = arith.addf %gather3A_378, %gather3A_379 : vector<16xf32>
          %mul3A_381 = arith.mulf %gather3A_377, %add3A_380 : vector<16xf32>
          %add3A_382 = arith.addf %add3A_370, %mul3A_381 : vector<16xf32>
          %mul3A_383 = arith.constant 16 : i32
          %mul3A_384 = arith.muli %scan3A_213, %mul3A_383 : i32
          %add3A_385 = arith.constant 14 : i32
          %add3A_386 = arith.addi %mul3A_384, %add3A_385 : i32
          %add3A_387 = vector.broadcast %add3A_386 : i32 to vector<16xi32>
          %add3A_388 = arith.addi %broadcast_in_dim3A_1, %add3A_387 : vector<16xi32>
          %gather3A_389 = tpu.vector_load_idx %arg20[%and3A_182, %add3A_388] : memref<320x128xf32, #tpu.memory_space<vmem>>[vector<16xi32>, vector<16xi32>], vector<16xf32>,
          %gather3A_390 = tpu.vector_load_idx %arg23[%add3A_195, %add3A_388] : memref<64x128xf32, #tpu.memory_space<vmem>>[vector<16xi32>, vector<16xi32>], vector<16xf32>,
          %gather3A_391 = tpu.vector_load_idx %arg19[%shift_right_logical3A_184, %add3A_388] : memref<4x128xf32, #tpu.memory_space<vmem>>[vector<16xi32>, vector<16xi32>], vector<16xf32>,
          %add3A_392 = arith.addf %gather3A_390, %gather3A_391 : vector<16xf32>
          %mul3A_393 = arith.mulf %gather3A_389, %add3A_392 : vector<16xf32>
          %add3A_394 = arith.addf %add3A_382, %mul3A_393 : vector<16xf32>
          %mul3A_395 = arith.constant 16 : i32
          %mul3A_396 = arith.muli %scan3A_213, %mul3A_395 : i32
          %add3A_397 = arith.constant 15 : i32
          %add3A_398 = arith.addi %mul3A_396, %add3A_397 : i32
          %add3A_399 = vector.broadcast %add3A_398 : i32 to vector<16xi32>
          %add3A_400 = arith.addi %broadcast_in_dim3A_1, %add3A_399 : vector<16xi32>
          %gather3A_401 = tpu.vector_load_idx %arg20[%and3A_182, %add3A_400] : memref<320x128xf32, #tpu.memory_space<vmem>>[vector<16xi32>, vector<16xi32>], vector<16xf32>,
          %gather3A_402 = tpu.vector_load_idx %arg23[%add3A_195, %add3A_400] : memref<64x128xf32, #tpu.memory_space<vmem>>[vector<16xi32>, vector<16xi32>], vector<16xf32>,
          %gather3A_403 = tpu.vector_load_idx %arg19[%shift_right_logical3A_184, %add3A_400] : memref<4x128xf32, #tpu.memory_space<vmem>>[vector<16xi32>, vector<16xi32>], vector<16xf32>,
          %add3A_404 = arith.addf %gather3A_402, %gather3A_403 : vector<16xf32>
          %mul3A_405 = arith.mulf %gather3A_401, %add3A_404 : vector<16xf32>
          %add3A_406 = arith.addf %add3A_394, %mul3A_405 : vector<16xf32>
          scf.yield %add3A_406 : vector<16xf32>
        }
        %scan3A_201 = arith.constant 8 : i32
        %exp3A = math.exp %scan3A_200 : vector<16xf32>
        %jit3A_202 = arith.constant 0.000000e+00 : f32
        %broadcast_in_dim3A_203 = vector.broadcast %jit3A_202 : f32 to vector<16xf32>
        %select_n3A_204 = arith.select %lt3A_188, %exp3A, %broadcast_in_dim3A_203 : vector<16xi1>, vector<16xf32>
        %gather3A = tpu.vector_load_idx %arg17[%get3A_179] : memref<10000xf32, #tpu.memory_space<vmem>>[vector<16xi32>], vector<16xf32>,
        %shift_right_logical3A_205 = arith.constant 4 : i32
        %shift_right_logical3A_206 = vector.broadcast %shift_right_logical3A_205 : i32 to vector<16xi32>
        %shift_right_logical3A_207 = arith.shrui %and3A_182, %shift_right_logical3A_206 : vector<16xi32>
        %and3A_208 = arith.constant 15 : i32
        %and3A_209 = vector.broadcast %and3A_208 : i32 to vector<16xi32>
        %and3A_210 = arith.andi %and3A_182, %and3A_209 : vector<16xi32>
        tpu.vector_store_idx %arg24[%shift_right_logical3A_207, %and3A_210], %select_n3A_204 masked %lt3A_188 {add = true} : memref<20x16xf32, #tpu.memory_space<vmem>>[vector<16xi32>, vector<16xi32>], vector<16xf32>, vector<16xi1>
        %mul3A_211 = arith.mulf %gather3A, %select_n3A_204 : vector<16xf32>
        tpu.vector_store_idx %arg25[%shift_right_logical3A_207, %and3A_210], %mul3A_211 masked %lt3A_188 {add = true} : memref<20x16xf32, #tpu.memory_space<vmem>>[vector<16xi32>, vector<16xi32>], vector<16xf32>, vector<16xi1>
        %scan3A_212 = arith.constant 0 : i32
        scf.yield %scan3A_212 : i32
      }
      %scan3A_163 = arith.constant 2 : i32
      %add3A_164 = arith.constant 2 : i32
      %add3A_165 = arith.addi %while3A_143, %add3A_164 : i32
      %lt3A = arith.cmpi slt, %add3A_165, %select_n3A : i32
      %convert_element_type3A_166 = arith.extui %lt3A : i1 to i32
      %cond3A_167 = arith.constant 0 : i32
      %cond3A_168 = arith.cmpi ne, %convert_element_type3A_166, %cond3A_167 : i32
      scf.if %cond3A_168 {
        %eq3A_170 = arith.constant 0 : i32
        %eq3A_171 = arith.cmpi eq, %rem3A_146, %eq3A_170 : i32
        %convert_element_type3A_172 = arith.extui %eq3A_171 : i1 to i32
        %cond3A_173 = arith.constant 0 : i32
        %cond3A_174 = arith.cmpi ne, %convert_element_type3A_172, %cond3A_173 : i32
        scf.if %cond3A_174 {
          %add3A_180 = arith.constant 2 : i32
          %add3A_181 = arith.addi %while3A_143, %add3A_180 : i32
          %mul3A_182 = arith.constant 32 : i32
          %mul3A_183 = arith.muli %add3A_181, %mul3A_182 : i32
          %dma_start3A_184 = arith.constant 0 : i32
          %dma_start3A_185 = arith.constant 0 : i32
          %dma_start3A_186 = tpu.memref_slice %arg23[%dma_start3A_184, %dma_start3A_185] : memref<64x128xf32, #tpu.memory_space<vmem>> -> memref<32x128xf32, #tpu.memory_space<vmem>>
          %dma_start3A_187 = tpu.memref_slice %arg21[%mul3A_183] : memref<10032xi32, #tpu.memory_space<vmem>> -> memref<32xi32, #tpu.memory_space<vmem>>
          %dma_start3A_188 = arith.constant 0 : i32
          %dma_start3A_189 = arith.constant 0 : i32
          %dma_start3A_190 = tpu.memref_slice %arg8[%dma_start3A_188, %dma_start3A_189] : memref<10000x128xf32, #tpu.memory_space<hbm>> -> memref<10000x128xf32, #tpu.memory_space<hbm>>
          tpu.enqueue_indirect_dma source(%dma_start3A_190 : memref<10000x128xf32, #tpu.memory_space<hbm>>) target(%dma_start3A_186 : memref<32x128xf32, #tpu.memory_space<vmem>>) offsets(%dma_start3A_187 : memref<32xi32, #tpu.memory_space<vmem>>) semaphore(%arg30 : memref<!tpu.dma_semaphore, #tpu.memory_space<semaphore_mem>>)
        } else {
        }
        %eq3A_175 = arith.constant 1 : i32
        %eq3A_176 = arith.cmpi eq, %rem3A_146, %eq3A_175 : i32
        %convert_element_type3A_177 = arith.extui %eq3A_176 : i1 to i32
        %cond3A_178 = arith.constant 0 : i32
        %cond3A_179 = arith.cmpi ne, %convert_element_type3A_177, %cond3A_178 : i32
        scf.if %cond3A_179 {
          %add3A_180 = arith.constant 2 : i32
          %add3A_181 = arith.addi %while3A_143, %add3A_180 : i32
          %mul3A_182 = arith.constant 32 : i32
          %mul3A_183 = arith.muli %add3A_181, %mul3A_182 : i32
          %dma_start3A_184 = arith.constant 32 : i32
          %dma_start3A_185 = arith.constant 0 : i32
          %dma_start3A_186 = tpu.memref_slice %arg23[%dma_start3A_184, %dma_start3A_185] : memref<64x128xf32, #tpu.memory_space<vmem>> -> memref<32x128xf32, #tpu.memory_space<vmem>>
          %dma_start3A_187 = tpu.memref_slice %arg21[%mul3A_183] : memref<10032xi32, #tpu.memory_space<vmem>> -> memref<32xi32, #tpu.memory_space<vmem>>
          %dma_start3A_188 = arith.constant 0 : i32
          %dma_start3A_189 = arith.constant 0 : i32
          %dma_start3A_190 = tpu.memref_slice %arg8[%dma_start3A_188, %dma_start3A_189] : memref<10000x128xf32, #tpu.memory_space<hbm>> -> memref<10000x128xf32, #tpu.memory_space<hbm>>
          tpu.enqueue_indirect_dma source(%dma_start3A_190 : memref<10000x128xf32, #tpu.memory_space<hbm>>) target(%dma_start3A_186 : memref<32x128xf32, #tpu.memory_space<vmem>>) offsets(%dma_start3A_187 : memref<32xi32, #tpu.memory_space<vmem>>) semaphore(%arg31 : memref<!tpu.dma_semaphore, #tpu.memory_space<semaphore_mem>>)
        } else {
        }
      } else {
      }
      %while3A_169 = arith.constant 0 : i32
      scf.yield %while3A_169 : i32
    }
    "tpu.region"() ({
      %run_scoped3A = tpu.sem_alloc : memref<!tpu.dma_semaphore, #tpu.memory_space<semaphore_mem>>
      %dma_start3A_143 = arith.constant 0 : i32
      %dma_start3A_144 = arith.constant 0 : i32
      %dma_start3A_145 = tpu.memref_slice %arg10[%add3A, %dma_start3A_143, %dma_start3A_144] : memref<32x20x16xf32, #tpu.memory_space<hbm>> -> memref<1x20x16xf32, #tpu.memory_space<hbm>>
      %dma_start3A_146 = tpu.memref_squeeze %dma_start3A_145 : memref<1x20x16xf32, #tpu.memory_space<hbm>> -> memref<20x16xf32, #tpu.memory_space<hbm>>
      %dma_start3A_147 = arith.constant 0 : i32
      %dma_start3A_148 = arith.constant 0 : i32
      %dma_start3A_149 = tpu.memref_slice %arg10[%add3A, %dma_start3A_147, %dma_start3A_148] : memref<32x20x16xf32, #tpu.memory_space<hbm>> -> memref<1x20x16xf32, #tpu.memory_space<hbm>>
      %dma_start3A_150 = tpu.memref_squeeze %dma_start3A_149 : memref<1x20x16xf32, #tpu.memory_space<hbm>> -> memref<20x16xf32, #tpu.memory_space<hbm>>
      tpu.enqueue_dma source(%arg24 : memref<20x16xf32, #tpu.memory_space<vmem>>) target(%dma_start3A_150 : memref<20x16xf32, #tpu.memory_space<hbm>>) target_semaphore(%run_scoped3A : memref<!tpu.dma_semaphore, #tpu.memory_space<semaphore_mem>>)
      %dma_wait3A_151 = arith.constant 0 : i32
      %dma_wait3A_152 = arith.constant 0 : i32
      %dma_wait3A_153 = tpu.memref_slice %arg10[%add3A, %dma_wait3A_151, %dma_wait3A_152] : memref<32x20x16xf32, #tpu.memory_space<hbm>> -> memref<1x20x16xf32, #tpu.memory_space<hbm>>
      %dma_wait3A_154 = tpu.memref_squeeze %dma_wait3A_153 : memref<1x20x16xf32, #tpu.memory_space<hbm>> -> memref<20x16xf32, #tpu.memory_space<hbm>>
      %dma_wait3A_155 = arith.constant 0 : i32
      %dma_wait3A_156 = arith.constant 0 : i32
      %dma_wait3A_157 = tpu.memref_slice %arg10[%add3A, %dma_wait3A_155, %dma_wait3A_156] : memref<32x20x16xf32, #tpu.memory_space<hbm>> -> memref<1x20x16xf32, #tpu.memory_space<hbm>>
      %dma_wait3A_158 = tpu.memref_squeeze %dma_wait3A_157 : memref<1x20x16xf32, #tpu.memory_space<hbm>> -> memref<20x16xf32, #tpu.memory_space<hbm>>
      tpu.wait_dma2 semaphore(%run_scoped3A : memref<!tpu.dma_semaphore, #tpu.memory_space<semaphore_mem>>) src(%arg24 : memref<20x16xf32, #tpu.memory_space<vmem>>) dst(%dma_wait3A_158 : memref<20x16xf32, #tpu.memory_space<hbm>>)
      tpu.yield
    }) : () -> ()
    "tpu.region"() ({
      %run_scoped3A = tpu.sem_alloc : memref<!tpu.dma_semaphore, #tpu.memory_space<semaphore_mem>>
      %dma_start3A_143 = arith.constant 0 : i32
      %dma_start3A_144 = arith.constant 0 : i32
      %dma_start3A_145 = tpu.memref_slice %arg11[%add3A, %dma_start3A_143, %dma_start3A_144] : memref<32x20x16xf32, #tpu.memory_space<hbm>> -> memref<1x20x16xf32, #tpu.memory_space<hbm>>
      %dma_start3A_146 = tpu.memref_squeeze %dma_start3A_145 : memref<1x20x16xf32, #tpu.memory_space<hbm>> -> memref<20x16xf32, #tpu.memory_space<hbm>>
      %dma_start3A_147 = arith.constant 0 : i32
      %dma_start3A_148 = arith.constant 0 : i32
      %dma_start3A_149 = tpu.memref_slice %arg11[%add3A, %dma_start3A_147, %dma_start3A_148] : memref<32x20x16xf32, #tpu.memory_space<hbm>> -> memref<1x20x16xf32, #tpu.memory_space<hbm>>
      %dma_start3A_150 = tpu.memref_squeeze %dma_start3A_149 : memref<1x20x16xf32, #tpu.memory_space<hbm>> -> memref<20x16xf32, #tpu.memory_space<hbm>>
      tpu.enqueue_dma source(%arg25 : memref<20x16xf32, #tpu.memory_space<vmem>>) target(%dma_start3A_150 : memref<20x16xf32, #tpu.memory_space<hbm>>) target_semaphore(%run_scoped3A : memref<!tpu.dma_semaphore, #tpu.memory_space<semaphore_mem>>)
      %dma_wait3A_151 = arith.constant 0 : i32
      %dma_wait3A_152 = arith.constant 0 : i32
      %dma_wait3A_153 = tpu.memref_slice %arg11[%add3A, %dma_wait3A_151, %dma_wait3A_152] : memref<32x20x16xf32, #tpu.memory_space<hbm>> -> memref<1x20x16xf32, #tpu.memory_space<hbm>>
      %dma_wait3A_154 = tpu.memref_squeeze %dma_wait3A_153 : memref<1x20x16xf32, #tpu.memory_space<hbm>> -> memref<20x16xf32, #tpu.memory_space<hbm>>
      %dma_wait3A_155 = arith.constant 0 : i32
      %dma_wait3A_156 = arith.constant 0 : i32
      %dma_wait3A_157 = tpu.memref_slice %arg11[%add3A, %dma_wait3A_155, %dma_wait3A_156] : memref<32x20x16xf32, #tpu.memory_space<hbm>> -> memref<1x20x16xf32, #tpu.memory_space<hbm>>
      %dma_wait3A_158 = tpu.memref_squeeze %dma_wait3A_157 : memref<1x20x16xf32, #tpu.memory_space<hbm>> -> memref<20x16xf32, #tpu.memory_space<hbm>>
      tpu.wait_dma2 semaphore(%run_scoped3A : memref<!tpu.dma_semaphore, #tpu.memory_space<semaphore_mem>>) src(%arg25 : memref<20x16xf32, #tpu.memory_space<vmem>>) dst(%dma_wait3A_158 : memref<20x16xf32, #tpu.memory_space<hbm>>)
      tpu.yield
    }) : () -> ()
    %eq3A = arith.constant 0 : i32
    %eq3A_139 = arith.cmpi eq, %add3A, %eq3A : i32
    %convert_element_type3A_140 = arith.extui %eq3A_139 : i1 to i32
    %cond3A_141 = arith.constant 0 : i32
    %cond3A_142 = arith.cmpi ne, %convert_element_type3A_140, %cond3A_141 : i32
    scf.if %cond3A_142 {
      %scan3A_143 = arith.constant 0 : i32
      %scan3A_144 = arith.constant 0 : i32
      %scan3A_145 = arith.constant 20 : i32
      %scan3A_146 = arith.addi %scan3A_144, %scan3A_145 : i32
      %scan3A_147 = arith.constant 1 : i32
      %scan3A_148 = scf.for %scan3A_150 = %scan3A_144 to %scan3A_146 step %scan3A_147 iter_args(%scan3A_151 = %scan3A_143) -> (i32)  : i32 {
        %mul3A_152 = arith.constant 16 : i32
        %mul3A_153 = arith.muli %scan3A_150, %mul3A_152 : i32
        %get3A = arith.index_cast %mul3A_153 : i32 to index
        %get3A_154 = tpu.vector_load %arg18[%get3A] {strides = array<i32>} : memref<320xi32, #tpu.memory_space<vmem>>, vector<16xi32>,
        %gather3A = tpu.vector_load_idx %arg16[%get3A_154] : memref<10000xi32, #tpu.memory_space<vmem>>[vector<16xi32>], vector<16xi32>,
        %mul3A_155 = arith.constant 16 : i32
        %mul3A_156 = arith.muli %scan3A_150, %mul3A_155 : i32
        %swap3A = arith.index_cast %mul3A_156 : i32 to index
        %swap3A_157 = tpu.vector_load %arg26[%swap3A] {strides = array<i32>} : memref<320xi32, #tpu.memory_space<vmem>>, vector<16xi32>,
        tpu.vector_store %arg26[%swap3A], %gather3A {strides = array<i32>} : memref<320xi32, #tpu.memory_space<vmem>>, vector<16xi32>,
        %scan3A_158 = arith.constant 0 : i32
        scf.yield %scan3A_158 : i32
      }
      %scan3A_149 = arith.constant 20 : i32
      "tpu.region"() ({
        %run_scoped3A = tpu.sem_alloc : memref<!tpu.dma_semaphore, #tpu.memory_space<semaphore_mem>>
        tpu.enqueue_dma source(%arg26 : memref<320xi32, #tpu.memory_space<vmem>>) target(%arg12 : memref<320xi32, #tpu.memory_space<hbm>>) target_semaphore(%run_scoped3A : memref<!tpu.dma_semaphore, #tpu.memory_space<semaphore_mem>>)
        tpu.wait_dma2 semaphore(%run_scoped3A : memref<!tpu.dma_semaphore, #tpu.memory_space<semaphore_mem>>) src(%arg26 : memref<320xi32, #tpu.memory_space<vmem>>) dst(%arg12 : memref<320xi32, #tpu.memory_space<hbm>>)
        tpu.yield
      }) : () -> ()
    } else {
    }
    return
  }
}

module attributes {stable_mosaic.version = 14 : i64} {
  func.func @_proj_body(%arg0: i32, %arg1: memref<1000x128xf32, #tpu.memory_space<vmem>>, %arg2: memref<128x128xf32, #tpu.memory_space<vmem>>, %arg3: memref<1x128xf32, #tpu.memory_space<vmem>>, %arg4: memref<128x128xf32, #tpu.memory_space<vmem>>, %arg5: memref<1x128xf32, #tpu.memory_space<vmem>>, %arg6: memref<8x32xf32, #tpu.memory_space<vmem>>, %arg7: memref<128x32xf32, #tpu.memory_space<vmem>>, %arg8: memref<1x128xf32, #tpu.memory_space<vmem>>, %arg9: memref<1000x128xf32, #tpu.memory_space<vmem>>, %arg10: memref<1000x128xf32, #tpu.memory_space<vmem>>, %arg11: memref<8x128xf32, #tpu.memory_space<vmem>>) attributes {dimension_semantics = [#tpu.dimension_semantics<arbitrary>], iteration_bounds = array<i64: 10>, scalar_prefetch = 0 : i64, scratch_operands = 0 : i64, tpu.core_type = #tpu.core_type<tc>, window_params = [{transform_indices = @transform_0, window_bounds = array<i64: 1000, 128>}, {pipeline_mode = #tpu.pipeline_mode<synchronous>, transform_indices = @transform_1, window_bounds = array<i64: 128, 128>}, {pipeline_mode = #tpu.pipeline_mode<synchronous>, transform_indices = @transform_2, window_bounds = array<i64: 1, 128>}, {pipeline_mode = #tpu.pipeline_mode<synchronous>, transform_indices = @transform_3, window_bounds = array<i64: 128, 128>}, {pipeline_mode = #tpu.pipeline_mode<synchronous>, transform_indices = @transform_4, window_bounds = array<i64: 1, 128>}, {pipeline_mode = #tpu.pipeline_mode<synchronous>, transform_indices = @transform_5, window_bounds = array<i64: 8, 32>}, {pipeline_mode = #tpu.pipeline_mode<synchronous>, transform_indices = @transform_6, window_bounds = array<i64: 128, 32>}, {pipeline_mode = #tpu.pipeline_mode<synchronous>, transform_indices = @transform_7, window_bounds = array<i64: 1, 128>}, {transform_indices = @transform_8, window_bounds = array<i64: 1000, 128>}, {transform_indices = @transform_9, window_bounds = array<i64: 1000, 128>}, {pipeline_mode = #tpu.pipeline_mode<synchronous>, transform_indices = @transform_10, window_bounds = array<i64: 8, 128>}]} {
    %get3A = arith.constant 0 : index
    %get3A_0 = arith.constant 0 : index
    %get3A_1 = vector.load %arg1[%get3A, %get3A_0] : memref<1000x128xf32, #tpu.memory_space<vmem>>, vector<1000x128xf32>
    %get3A_2 = arith.constant 0 : index
    %get3A_3 = arith.constant 0 : index
    %get3A_4 = vector.load %arg2[%get3A_2, %get3A_3] : memref<128x128xf32, #tpu.memory_space<vmem>>, vector<128x128xf32>
    %dot_general3A = arith.constant dense<0.000000e+00> : vector<1000x128xf32>
    %dot_general3A_5 = tpu.matmul %get3A_1, %get3A_4, %dot_general3A {dimension_numbers = #tpu.dot_dimension_numbers<[1], [1], [0], [0], [0, 0, 1, 0], [], []>, transpose_lhs_hint = false} : vector<1000x128xf32>, vector<128x128xf32>, vector<1000x128xf32> -> vector<1000x128xf32>
    %get3A_6 = arith.constant 0 : index
    %get3A_7 = arith.constant 0 : index
    %get3A_8 = vector.load %arg3[%get3A_6, %get3A_7] : memref<1x128xf32, #tpu.memory_space<vmem>>, vector<1x128xf32>
    %add3A = vector.broadcast %get3A_8 : vector<1x128xf32> to vector<1000x128xf32>
    %add3A_9 = arith.addf %dot_general3A_5, %add3A : vector<1000x128xf32>
    %mul3A = arith.constant 0.0883883461 : f32
    %mul3A_10 = vector.broadcast %mul3A : f32 to vector<1000x128xf32>
    %mul3A_11 = arith.mulf %add3A_9, %mul3A_10 : vector<1000x128xf32>
    %swap3A = arith.constant 0 : index
    %swap3A_12 = arith.constant 0 : index
    %swap3A_13 = vector.load %arg9[%swap3A, %swap3A_12] : memref<1000x128xf32, #tpu.memory_space<vmem>>, vector<1000x128xf32>
    tpu.vector_store %arg9[%swap3A, %swap3A_12], %mul3A_11 {strides = array<i32>} : memref<1000x128xf32, #tpu.memory_space<vmem>>, vector<1000x128xf32>,
    %get3A_14 = arith.constant 0 : index
    %get3A_15 = arith.constant 0 : index
    %get3A_16 = vector.load %arg4[%get3A_14, %get3A_15] : memref<128x128xf32, #tpu.memory_space<vmem>>, vector<128x128xf32>
    %dot_general3A_17 = arith.constant dense<0.000000e+00> : vector<1000x128xf32>
    %dot_general3A_18 = tpu.matmul %get3A_1, %get3A_16, %dot_general3A_17 {dimension_numbers = #tpu.dot_dimension_numbers<[1], [1], [0], [0], [0, 0, 1, 0], [], []>, transpose_lhs_hint = false} : vector<1000x128xf32>, vector<128x128xf32>, vector<1000x128xf32> -> vector<1000x128xf32>
    %get3A_19 = arith.constant 0 : index
    %get3A_20 = arith.constant 0 : index
    %get3A_21 = vector.load %arg5[%get3A_19, %get3A_20] : memref<1x128xf32, #tpu.memory_space<vmem>>, vector<1x128xf32>
    %add3A_22 = vector.broadcast %get3A_21 : vector<1x128xf32> to vector<1000x128xf32>
    %add3A_23 = arith.addf %dot_general3A_18, %add3A_22 : vector<1000x128xf32>
    %swap3A_24 = arith.constant 0 : index
    %swap3A_25 = arith.constant 0 : index
    %swap3A_26 = vector.load %arg10[%swap3A_24, %swap3A_25] : memref<1000x128xf32, #tpu.memory_space<vmem>>, vector<1000x128xf32>
    tpu.vector_store %arg10[%swap3A_24, %swap3A_25], %add3A_23 {strides = array<i32>} : memref<1000x128xf32, #tpu.memory_space<vmem>>, vector<1000x128xf32>,
    %eq3A = arith.constant 0 : i32
    %eq3A_27 = arith.cmpi eq, %arg0, %eq3A : i32
    %convert_element_type3A = arith.extui %eq3A_27 : i1 to i32
    %cond3A = arith.constant 0 : i32
    %cond3A_28 = arith.cmpi ne, %convert_element_type3A, %cond3A : i32
    scf.if %cond3A_28 {
      %get3A_29 = arith.constant 0 : index
      %get3A_30 = arith.constant 0 : index
      %get3A_31 = vector.load %arg6[%get3A_29, %get3A_30] : memref<8x32xf32, #tpu.memory_space<vmem>>, vector<8x32xf32>
      %integer_pow3A = arith.mulf %get3A_31, %get3A_31 : vector<8x32xf32>
      %integer_pow3A_32 = arith.mulf %get3A_31, %integer_pow3A : vector<8x32xf32>
      %mul3A_33 = arith.constant 4.471500e-02 : f32
      %mul3A_34 = vector.broadcast %mul3A_33 : f32 to vector<8x32xf32>
      %mul3A_35 = arith.mulf %mul3A_34, %integer_pow3A_32 : vector<8x32xf32>
      %add3A_36 = arith.addf %get3A_31, %mul3A_35 : vector<8x32xf32>
      %mul3A_37 = arith.constant 0.797884583 : f32
      %mul3A_38 = vector.broadcast %mul3A_37 : f32 to vector<8x32xf32>
      %mul3A_39 = arith.mulf %mul3A_38, %add3A_36 : vector<8x32xf32>
      %tanh3A = math.tanh %mul3A_39 : vector<8x32xf32>
      %add3A_40 = arith.constant 1.000000e+00 : f32
      %add3A_41 = vector.broadcast %add3A_40 : f32 to vector<8x32xf32>
      %add3A_42 = arith.addf %add3A_41, %tanh3A : vector<8x32xf32>
      %mul3A_43 = arith.constant 5.000000e-01 : f32
      %mul3A_44 = vector.broadcast %mul3A_43 : f32 to vector<8x32xf32>
      %mul3A_45 = arith.mulf %mul3A_44, %add3A_42 : vector<8x32xf32>
      %mul3A_46 = arith.mulf %get3A_31, %mul3A_45 : vector<8x32xf32>
      %get3A_47 = arith.constant 0 : index
      %get3A_48 = arith.constant 0 : index
      %get3A_49 = vector.load %arg7[%get3A_47, %get3A_48] : memref<128x32xf32, #tpu.memory_space<vmem>>, vector<128x32xf32>
      %dot_general3A_50 = arith.constant dense<0.000000e+00> : vector<8x128xf32>
      %dot_general3A_51 = tpu.matmul %mul3A_46, %get3A_49, %dot_general3A_50 {dimension_numbers = #tpu.dot_dimension_numbers<[1], [1], [0], [0], [0, 0, 1, 0], [], []>, transpose_lhs_hint = false} : vector<8x32xf32>, vector<128x32xf32>, vector<8x128xf32> -> vector<8x128xf32>
      %get3A_52 = arith.constant 0 : index
      %get3A_53 = arith.constant 0 : index
      %get3A_54 = vector.load %arg8[%get3A_52, %get3A_53] : memref<1x128xf32, #tpu.memory_space<vmem>>, vector<1x128xf32>
      %add3A_55 = vector.broadcast %get3A_54 : vector<1x128xf32> to vector<8x128xf32>
      %add3A_56 = arith.addf %dot_general3A_51, %add3A_55 : vector<8x128xf32>
      %swap3A_57 = arith.constant 0 : index
      %swap3A_58 = arith.constant 0 : index
      %swap3A_59 = vector.load %arg11[%swap3A_57, %swap3A_58] : memref<8x128xf32, #tpu.memory_space<vmem>>, vector<8x128xf32>
      tpu.vector_store %arg11[%swap3A_57, %swap3A_58], %add3A_56 {strides = array<i32>} : memref<8x128xf32, #tpu.memory_space<vmem>>, vector<8x128xf32>,
    } else {
    }
    return
  }
  func.func @transform_0(%arg0: i32) -> (i32, i32) {
    %c0_i32 = arith.constant 0 : i32
    %c0_i32_0 = arith.constant 0 : i32
    return %arg0, %c0_i32 : i32, i32
  }
  func.func @transform_1(%arg0: i32) -> (i32, i32) {
    %c0_i32 = arith.constant 0 : i32
    %c0_i32_0 = arith.constant 0 : i32
    %c0_i32_1 = arith.constant 0 : i32
    return %c0_i32, %c0_i32_0 : i32, i32
  }
  func.func @transform_2(%arg0: i32) -> (i32, i32) {
    %c0_i32 = arith.constant 0 : i32
    %c0_i32_0 = arith.constant 0 : i32
    %c0_i32_1 = arith.constant 0 : i32
    return %c0_i32, %c0_i32_0 : i32, i32
  }
  func.func @transform_3(%arg0: i32) -> (i32, i32) {
    %c0_i32 = arith.constant 0 : i32
    %c0_i32_0 = arith.constant 0 : i32
    %c0_i32_1 = arith.constant 0 : i32
    return %c0_i32, %c0_i32_0 : i32, i32
  }
  func.func @transform_4(%arg0: i32) -> (i32, i32) {
    %c0_i32 = arith.constant 0 : i32
    %c0_i32_0 = arith.constant 0 : i32
    %c0_i32_1 = arith.constant 0 : i32
    return %c0_i32, %c0_i32_0 : i32, i32
  }
  func.func @transform_5(%arg0: i32) -> (i32, i32) {
    %c0_i32 = arith.constant 0 : i32
    %c0_i32_0 = arith.constant 0 : i32
    %c0_i32_1 = arith.constant 0 : i32
    return %c0_i32, %c0_i32_0 : i32, i32
  }
  func.func @transform_6(%arg0: i32) -> (i32, i32) {
    %c0_i32 = arith.constant 0 : i32
    %c0_i32_0 = arith.constant 0 : i32
    %c0_i32_1 = arith.constant 0 : i32
    return %c0_i32, %c0_i32_0 : i32, i32
  }
  func.func @transform_7(%arg0: i32) -> (i32, i32) {
    %c0_i32 = arith.constant 0 : i32
    %c0_i32_0 = arith.constant 0 : i32
    %c0_i32_1 = arith.constant 0 : i32
    return %c0_i32, %c0_i32_0 : i32, i32
  }
  func.func @transform_8(%arg0: i32) -> (i32, i32) {
    %c0_i32 = arith.constant 0 : i32
    %c0_i32_0 = arith.constant 0 : i32
    return %arg0, %c0_i32 : i32, i32
  }
  func.func @transform_9(%arg0: i32) -> (i32, i32) {
    %c0_i32 = arith.constant 0 : i32
    %c0_i32_0 = arith.constant 0 : i32
    return %arg0, %c0_i32 : i32, i32
  }
  func.func @transform_10(%arg0: i32) -> (i32, i32) {
    %c0_i32 = arith.constant 0 : i32
    %c0_i32_0 = arith.constant 0 : i32
    %c0_i32_1 = arith.constant 0 : i32
    return %c0_i32, %c0_i32_0 : i32, i32
  }
}

module attributes {stable_mosaic.version = 14 : i64} {
  func.func @_combine_body(%arg0: memref<32x320xf32, #tpu.memory_space<vmem>>, %arg1: memref<32x320xf32, #tpu.memory_space<vmem>>, %arg2: memref<320x1xi32, #tpu.memory_space<vmem>>, %arg3: memref<16x1xi32, #tpu.memory_space<vmem>>, %arg4: memref<1x320xf32, #tpu.memory_space<vmem>>, %arg5: memref<1x1xf32, #tpu.memory_space<vmem>>) attributes {dimension_semantics = [], scalar_prefetch = 0 : i64, scratch_operands = 0 : i64, tpu.core_type = #tpu.core_type<tc>} {
    %get3A = arith.constant 0 : index
    %get3A_0 = arith.constant 0 : index
    %get3A_1 = vector.load %arg0[%get3A, %get3A_0] : memref<32x320xf32, #tpu.memory_space<vmem>>, vector<32x320xf32>
    %reduce_sum3A = arith.constant dense<0.000000e+00> : vector<320xf32>
    %reduce_sum3A_2 = vector.multi_reduction <add>, %get3A_1, %reduce_sum3A [0] : vector<32x320xf32> to vector<320xf32>
    %broadcast_in_dim3A = vector.shape_cast %reduce_sum3A_2 : vector<320xf32> to vector<1x320xf32>
    %get3A_3 = arith.constant 0 : index
    %get3A_4 = arith.constant 0 : index
    %get3A_5 = vector.load %arg1[%get3A_3, %get3A_4] : memref<32x320xf32, #tpu.memory_space<vmem>>, vector<32x320xf32>
    %reduce_sum3A_6 = arith.constant dense<0.000000e+00> : vector<320xf32>
    %reduce_sum3A_7 = vector.multi_reduction <add>, %get3A_5, %reduce_sum3A_6 [0] : vector<32x320xf32> to vector<320xf32>
    %broadcast_in_dim3A_8 = vector.shape_cast %reduce_sum3A_7 : vector<320xf32> to vector<1x320xf32>
    %gt3A = arith.constant 0.000000e+00 : f32
    %gt3A_9 = vector.broadcast %gt3A : f32 to vector<1x320xf32>
    %gt3A_10 = arith.cmpf ogt, %broadcast_in_dim3A, %gt3A_9 : vector<1x320xf32>
    %jit3A = arith.constant 1.000000e+00 : f32
    %broadcast_in_dim3A_11 = vector.broadcast %jit3A : f32 to vector<1x320xf32>
    %select_n3A = arith.select %gt3A_10, %broadcast_in_dim3A, %broadcast_in_dim3A_11 : vector<1x320xi1>, vector<1x320xf32>
    %gt3A_12 = arith.constant 0.000000e+00 : f32
    %gt3A_13 = vector.broadcast %gt3A_12 : f32 to vector<1x320xf32>
    %gt3A_14 = arith.cmpf ogt, %broadcast_in_dim3A, %gt3A_13 : vector<1x320xf32>
    %div3A = arith.divf %broadcast_in_dim3A_8, %select_n3A : vector<1x320xf32>
    %jit3A_15 = arith.constant 0.000000e+00 : f32
    %broadcast_in_dim3A_16 = vector.broadcast %jit3A_15 : f32 to vector<1x320xf32>
    %select_n3A_17 = arith.select %gt3A_14, %div3A, %broadcast_in_dim3A_16 : vector<1x320xi1>, vector<1x320xf32>
    %iota3A = tpu.iota {dimensions = array<i32: 1>} : vector<320x320xi32>
    %get3A_18 = arith.constant 0 : index
    %get3A_19 = arith.constant 0 : index
    %get3A_20 = vector.load %arg2[%get3A_18, %get3A_19] : memref<320x1xi32, #tpu.memory_space<vmem>>, vector<320x1xi32>
    %eq3A = vector.broadcast %get3A_20 : vector<320x1xi32> to vector<320x320xi32>
    %eq3A_21 = arith.cmpi eq, %eq3A, %iota3A : vector<320x320xi32>
    %convert_element_type3A = arith.extui %eq3A_21 : vector<320x320xi1> to vector<320x320xi32>
    %convert_element_type3A_22 = arith.sitofp %convert_element_type3A : vector<320x320xi32> to vector<320x320xf32>
    %dot_general3A = arith.constant dense<0.000000e+00> : vector<1x320xf32>
    %dot_general3A_23 = tpu.matmul %select_n3A_17, %convert_element_type3A_22, %dot_general3A {dimension_numbers = #tpu.dot_dimension_numbers<[1], [1], [0], [0], [0, 0, 1, 0], [], []>, precision = #tpu.contract_precision<fp32>, transpose_lhs_hint = false} : vector<1x320xf32>, vector<320x320xf32>, vector<1x320xf32> -> vector<1x320xf32>
    %swap3A = arith.constant 0 : index
    %swap3A_24 = arith.constant 0 : index
    %swap3A_25 = vector.load %arg4[%swap3A, %swap3A_24] : memref<1x320xf32, #tpu.memory_space<vmem>>, vector<1x320xf32>
    tpu.vector_store %arg4[%swap3A, %swap3A_24], %dot_general3A_23 {strides = array<i32>} : memref<1x320xf32, #tpu.memory_space<vmem>>, vector<1x320xf32>,
    %iota3A_26 = tpu.iota {dimensions = array<i32: 1>} : vector<16x320xi32>
    %jit3A_27 = arith.constant 20 : i32
    %div3A_28 = vector.broadcast %jit3A_27 : i32 to vector<16x320xi32>
    %div3A_29 = arith.divsi %iota3A_26, %div3A_28 : vector<16x320xi32>
    %sign3A = arith.constant 0 : i32
    %sign3A_30 = vector.broadcast %sign3A : i32 to vector<16x320xi32>
    %sign3A_31 = arith.cmpi sgt, %iota3A_26, %sign3A_30 : vector<16x320xi32>
    %sign3A_32 = arith.extui %sign3A_31 : vector<16x320xi1> to vector<16x320xi32>
    %sign3A_33 = arith.constant 0 : i32
    %sign3A_34 = vector.broadcast %sign3A_33 : i32 to vector<16x320xi32>
    %sign3A_35 = arith.cmpi slt, %iota3A_26, %sign3A_34 : vector<16x320xi32>
    %sign3A_36 = arith.extui %sign3A_35 : vector<16x320xi1> to vector<16x320xi32>
    %sign3A_37 = arith.subi %sign3A_32, %sign3A_36 : vector<16x320xi32>
    %sign3A_38 = arith.constant 0 : i32
    %sign3A_39 = arith.cmpi sgt, %jit3A_27, %sign3A_38 : i32
    %sign3A_40 = arith.extui %sign3A_39 : i1 to i32
    %sign3A_41 = arith.constant 0 : i32
    %sign3A_42 = arith.cmpi slt, %jit3A_27, %sign3A_41 : i32
    %sign3A_43 = arith.extui %sign3A_42 : i1 to i32
    %sign3A_44 = arith.subi %sign3A_40, %sign3A_43 : i32
    %ne3A = vector.broadcast %sign3A_44 : i32 to vector<16x320xi32>
    %ne3A_45 = arith.cmpi ne, %sign3A_37, %ne3A : vector<16x320xi32>
    %rem3A = vector.broadcast %jit3A_27 : i32 to vector<16x320xi32>
    %rem3A_46 = arith.remsi %iota3A_26, %rem3A : vector<16x320xi32>
    %ne3A_47 = arith.constant 0 : i32
    %ne3A_48 = vector.broadcast %ne3A_47 : i32 to vector<16x320xi32>
    %ne3A_49 = arith.cmpi ne, %rem3A_46, %ne3A_48 : vector<16x320xi32>
    %and3A = arith.andi %ne3A_45, %ne3A_49 : vector<16x320xi1>
    %sub3A = arith.constant 1 : i32
    %sub3A_50 = vector.broadcast %sub3A : i32 to vector<16x320xi32>
    %sub3A_51 = arith.subi %div3A_29, %sub3A_50 : vector<16x320xi32>
    %select_n3A_52 = arith.select %and3A, %sub3A_51, %div3A_29 : vector<16x320xi1>, vector<16x320xi32>
    %iota3A_53 = tpu.iota {dimensions = array<i32: 0>} : vector<16x320xi32>
    %eq3A_54 = arith.cmpi eq, %select_n3A_52, %iota3A_53 : vector<16x320xi32>
    %broadcast_in_dim3A_55 = vector.shape_cast %dot_general3A_23 : vector<1x320xf32> to vector<1x320xf32>
    %broadcast_in_dim3A_56 = vector.broadcast %broadcast_in_dim3A_55 : vector<1x320xf32> to vector<16x320xf32>
    %jit3A_57 = arith.constant -1.000000e+30 : f32
    %broadcast_in_dim3A_58 = vector.broadcast %jit3A_57 : f32 to vector<16x320xf32>
    %select_n3A_59 = arith.select %eq3A_54, %broadcast_in_dim3A_56, %broadcast_in_dim3A_58 : vector<16x320xi1>, vector<16x320xf32>
    %reduce_max3A = arith.constant dense<0xFF800000> : vector<16xf32>
    %reduce_max3A_60 = vector.multi_reduction <maximumf>, %select_n3A_59, %reduce_max3A [1] : vector<16x320xf32> to vector<16xf32>
    %broadcast_in_dim3A_61 = vector.shape_cast %reduce_max3A_60 : vector<16xf32> to vector<16x1xf32>
    %sub3A_62 = vector.broadcast %broadcast_in_dim3A_61 : vector<16x1xf32> to vector<16x320xf32>
    %sub3A_63 = arith.subf %select_n3A_59, %sub3A_62 : vector<16x320xf32>
    %exp3A = math.exp %sub3A_63 : vector<16x320xf32>
    %reduce_sum3A_64 = arith.constant dense<0.000000e+00> : vector<16xf32>
    %reduce_sum3A_65 = vector.multi_reduction <add>, %exp3A, %reduce_sum3A_64 [1] : vector<16x320xf32> to vector<16xf32>
    %broadcast_in_dim3A_66 = vector.shape_cast %reduce_sum3A_65 : vector<16xf32> to vector<16x1xf32>
    %log3A = math.log %broadcast_in_dim3A_66 : vector<16x1xf32>
    %add3A = arith.addf %log3A, %broadcast_in_dim3A_61 : vector<16x1xf32>
    %iota3A_67 = tpu.iota {dimensions = array<i32: 1>} : vector<16x320xi32>
    %jit3A_68 = arith.constant 20 : i32
    %eq3A_69 = arith.constant 0 : i32
    %eq3A_70 = arith.cmpi eq, %jit3A_68, %eq3A_69 : i32
    %jit3A_71 = arith.constant 1 : i32
    %select_n3A_72 = arith.select %eq3A_70, %jit3A_71, %jit3A_68 : i32
    %rem3A_73 = vector.broadcast %select_n3A_72 : i32 to vector<16x320xi32>
    %rem3A_74 = arith.remsi %iota3A_67, %rem3A_73 : vector<16x320xi32>
    %ne3A_75 = arith.constant 0 : i32
    %ne3A_76 = vector.broadcast %ne3A_75 : i32 to vector<16x320xi32>
    %ne3A_77 = arith.cmpi ne, %rem3A_74, %ne3A_76 : vector<16x320xi32>
    %lt3A = arith.constant 0 : i32
    %lt3A_78 = vector.broadcast %lt3A : i32 to vector<16x320xi32>
    %lt3A_79 = arith.cmpi slt, %rem3A_74, %lt3A_78 : vector<16x320xi32>
    %lt3A_80 = arith.constant 0 : i32
    %lt3A_81 = arith.cmpi slt, %select_n3A_72, %lt3A_80 : i32
    %ne3A_82 = vector.broadcast %lt3A_81 : i1 to vector<16x320xi1>
    %ne3A_83 = vector.broadcast %ne3A_82 : vector<16x320xi1> to vector<16x320xi1>
    %ne3A_84 = arith.xori %lt3A_79, %ne3A_83 : vector<16x320xi1>
    %and3A_85 = arith.andi %ne3A_84, %ne3A_77 : vector<16x320xi1>
    %add3A_86 = vector.broadcast %select_n3A_72 : i32 to vector<16x320xi32>
    %add3A_87 = arith.addi %rem3A_74, %add3A_86 : vector<16x320xi32>
    %select_n3A_88 = arith.select %and3A_85, %add3A_87, %rem3A_74 : vector<16x320xi1>, vector<16x320xi32>
    %get3A_89 = arith.constant 0 : index
    %get3A_90 = arith.constant 0 : index
    %get3A_91 = vector.load %arg3[%get3A_89, %get3A_90] : memref<16x1xi32, #tpu.memory_space<vmem>>, vector<16x1xi32>
    %eq3A_92 = vector.broadcast %get3A_91 : vector<16x1xi32> to vector<16x320xi32>
    %eq3A_93 = arith.cmpi eq, %select_n3A_88, %eq3A_92 : vector<16x320xi32>
    %and3A_94 = arith.andi %eq3A_54, %eq3A_93 : vector<16x320xi1>
    %jit3A_95 = arith.constant 0.000000e+00 : f32
    %broadcast_in_dim3A_96 = vector.broadcast %jit3A_95 : f32 to vector<16x320xf32>
    %select_n3A_97 = arith.select %and3A_94, %broadcast_in_dim3A_56, %broadcast_in_dim3A_96 : vector<16x320xi1>, vector<16x320xf32>
    %reduce_sum3A_98 = arith.constant dense<0.000000e+00> : vector<16xf32>
    %reduce_sum3A_99 = vector.multi_reduction <add>, %select_n3A_97, %reduce_sum3A_98 [1] : vector<16x320xf32> to vector<16xf32>
    %broadcast_in_dim3A_100 = vector.shape_cast %reduce_sum3A_99 : vector<16xf32> to vector<16x1xf32>
    %sub3A_101 = arith.subf %add3A, %broadcast_in_dim3A_100 : vector<16x1xf32>
    %reduce_sum3A_102 = vector.shape_cast %sub3A_101 : vector<16x1xf32> to vector<1x16x1xf32>
    %reduce_sum3A_103 = arith.constant dense<0.000000e+00> : vector<1xf32>
    %reduce_sum3A_104 = vector.multi_reduction <add>, %reduce_sum3A_102, %reduce_sum3A_103 [1, 2] : vector<1x16x1xf32> to vector<1xf32>
    %reduce_sum3A_105 = vector.shape_cast %reduce_sum3A_104 : vector<1xf32> to vector<1x1x1xf32>
    %reduce_sum3A_106 = vector.extract %reduce_sum3A_105[0, 0, 0] : f32 from vector<1x1x1xf32>
    %reshape3A = vector.broadcast %reduce_sum3A_106 : f32 to vector<1x1xf32>
    %swap3A_107 = arith.constant 0 : index
    %swap3A_108 = arith.constant 0 : index
    %swap3A_109 = vector.load %arg5[%swap3A_107, %swap3A_108] : memref<1x1xf32, #tpu.memory_space<vmem>>, vector<1x1xf32>
    tpu.vector_store %arg5[%swap3A_107, %swap3A_108], %reshape3A {strides = array<i32>} : memref<1x1xf32, #tpu.memory_space<vmem>>, vector<1x1xf32>,
    return
  }
}

</mosaic_0001>

<sc_bundles>
// kernel: kernel.5.cloned.1.call-start
scs
__scs_entry_jumppad:
0x0: {  	(pc) =	sbr.rel $0x88, $3  }
0x1: {  	(tag) =	ssettag $0x0;
	lr =	simm.s32 $0x1  }
0x2: {  	[smem:$0x3F94] =	sst lr;
	_ =	strace $0xD0000000  }
0x3: {  	_ = 	snop  }
0x4: {  	_ = 	snop  }
0x5: {  	_ = 	snop  }
0x6: {  	_ = 	snop  }
0x7: {  	_ = 	snop  }
__scs_overlays_trampoline_lowered:
0x8: {  	[smem:$0x3FA3] =	sst s0  }
0x9: {  	[smem:$0x3FA4] =	sst s1  }
0xa: {  	[smem:$0x3FA5] =	sst s2  }
0xb: {  	[smem:$0x3FA6] =	sst s3  }
0xc: {  	[smem:$0x3FA7] =	sst s4  }
0xd: {  	[smem:$0x3FA8] =	sst s5  }
0xe: {  	[smem:$0x3FA9] =	sst s6  }
0xf: {  	[smem:$0x3FAA] =	sst s7  }
0x10: {  	[smem:$0x3FAB] =	sst s8  }
0x11: {  	[smem:$0x3FAC] =	sst s9;
	s0 =	simm.s32 @!p0 $0x0  }
0x12: {  	s1 =	sld [smem:$0x3F92];
	s0 =	simm.s32 @p0 $0x1  }
0x13: {  	[smem:$0x3FAD] =	sst s0;
	s0 =	simm.s32 @!p1 $0x0  }
0x14: {  	s2 =	sld [smem:$0x3F91];
	s0 =	simm.s32 @p1 $0x1  }
0x15: {  	[smem:$0x3FAE] =	sst s0;
	s0 =	simm.s32 @!p2 $0x0  }
0x16: {  	s3 =	sld [smem:$0x3FDB];
	s0 =	simm.s32 @p2 $0x1  }
0x17: {  	s4 =	simm.s32 $0x1BF5;
	[smem:$0x3FB0] =	sst s0  }
0x18: {  	s0 =	sld [smem:$0x3F93];
	_ =	swait.ge [sflag:s4], $0x0  }
0x19: {  	s7 =	sld [smem:$0x3F94]  }
0x1a: {  	s8 =	sadd.s32 $0xFFFFE003, lr  }
0x1b: {  	s9 =	sadd.s32 $0xFFFFFEF7, lr;
	s5 =	simm.s32 $0xFFFFFFFF;
	p2 =	slt.u32 s8, $0xFFFFF086  }
0x1c: {  	p1 =	slt.u32 s9, $0xF7A;
	s5 =	simm.s32 @!p2 $0x0  }
0x1d: {  	s5 =	simm.s32 @p1 $0x1;
	p0 =	seq.s32 s7, s2  }
0x1e: {  	s7 =	smul.u32 @!p0 $0xF7A, s2;
	p2 =	seq.s32 @!p0 s5, $0x0  }
0x1f: {  	s9 =	smul.u32 $0xF7A, s1;
	s8 =	simm.s32 @!p0 $0x1BF5;
	p2 =	por !p2, p0  }
0x20: {  	[sflag:s8] =	ssyncset.s32 @!p0 $0xFFFFF086;
	s6 =	sadd.s32 @!p0 s3, s7;
	s7 =	simm.s32 @!p0 $0x108  }
0x21: {  	s3 =	sadd.s32 s3, s9;
	s6 =	sadd.s32 @!p0 $0x88, s6;
	s7 =	simm.s32 @p2 $0x1082  }
0x22: {  	[simem:s7], [sflag:s8] =	dma.local @!p0 [hbm:s6], $0xF7A  }
0x23: {  	s9 =	sor.u32 $0xD0000000, s2;
	s6 =	simm.s32 $0x108;
	_ =	swait.ge @!p0 [sflag:s8], $0x0  }
0x24: {  	s3 =	sadd.s32 $0x88, s3;
	s6 =	simm.s32 @!p1 $0x1082;
	[sflag:s4] =	ssyncset.s32 $0xFFFFF086  }
0x25: {  	[simem:s6], [sflag:s4] =	dma.local [hbm:s3], $0xF7A  }
0x26: {  	[smem:$0x3F94] =	sst s1;
	(tag) =	ssettag s2;
	_ =	strace s9  }
0x27: {  	s1 =	sld [smem:$0x3FA4]  }
0x28: {  	s2 =	sld [smem:$0x3FA5]  }
0x29: {  	s4 =	sld [smem:$0x3FA7]  }
0x2a: {  	p0 =	seq.s32 s5, $0x0;
	s5 =	sld [smem:$0x3FA8]  }
0x2b: {  	s6 =	sld [smem:$0x3FA9]  }
0x2c: {  	s7 =	sld [smem:$0x3FAA]  }
0x2d: {  	s3 =	simm.s32 $0x108;
	s8 =	sld [smem:$0x3FAB]  }
0x2e: {  	s3 =	simm.s32 @!p0 $0x1082;
	s9 =	sld [smem:$0x3FAC]  }
0x2f: {  	lr =	sadd.s32 s0, s3;
	s0 =	sld [smem:$0x3FA3]  }
0x30: {  	s3 =	sld [smem:$0x3FA6]  }
0x31: {  	[smem:$0x3FAF] =	sst s10  }
0x32: {  	s10 =	sld [smem:$0x3FAD];
	_ =	sdelay $0x3  }
0x33: {  	p0 =	seq.s32 s10, $0x1;
	s10 =	sld [smem:$0x3FAF];
	_ =	sdelay $0x3  }
0x34: {  	[smem:$0x3FAF] =	sst s10  }
0x35: {  	s10 =	sld [smem:$0x3FAE];
	_ =	sdelay $0x3  }
0x36: {  	p1 =	seq.s32 s10, $0x1;
	s10 =	sld [smem:$0x3FAF];
	_ =	sdelay $0x3  }
0x37: {  	[smem:$0x3FAF] =	sst s10  }
0x38: {  	s10 =	sld [smem:$0x3FB0]  }
0x39: {  	_ = 	snop;
	(pc) =	sbr.ind lr, $3  }
0x3a: {  	_ = 	snop  }
0x3b: {  	_ = 	snop  }
0x3c: {  	p2 =	seq.s32 s10, $0x1;
	s10 =	sld [smem:$0x3FAF]  }
0x3d: {  	_ =	shalt  }
0x3e: {  	_ =	shalt  }
0x3f: {  	_ =	shalt  }
0x40: {  	_ =	shalt  }
0x41: {  	_ =	shalt  }
0x42: {  	_ =	shalt  }
0x43: {  	_ =	shalt  }
0x44: {  	_ =	shalt  }
0x45: {  	_ =	shalt  }
0x46: {  	_ =	shalt  }
0x47: {  	_ =	shalt  }
0x48: {  	_ =	shalt  }
0x49: {  	_ =	shalt  }
0x4a: {  	_ =	shalt  }
0x4b: {  	_ =	shalt  }
0x4c: {  	_ =	shalt  }
0x4d: {  	_ =	shalt  }
0x4e: {  	_ =	shalt  }
0x4f: {  	_ =	shalt  }
0x50: {  	_ =	shalt  }
0x51: {  	_ =	shalt  }
0x52: {  	_ =	shalt  }
0x53: {  	_ =	shalt  }
0x54: {  	_ =	shalt  }
0x55: {  	_ =	shalt  }
0x56: {  	_ =	shalt  }
0x57: {  	_ =	shalt  }
0x58: {  	_ =	shalt  }
0x59: {  	_ =	shalt  }
0x5a: {  	_ =	shalt  }
0x5b: {  	_ =	shalt  }
0x5c: {  	_ =	shalt  }
0x5d: {  	_ =	shalt  }
0x5e: {  	_ =	shalt  }
0x5f: {  	_ =	shalt  }
0x60: {  	_ =	shalt  }
0x61: {  	_ =	shalt  }
0x62: {  	_ =	shalt  }
0x63: {  	_ =	shalt  }
0x64: {  	_ =	shalt  }
0x65: {  	_ =	shalt  }
0x66: {  	_ =	shalt  }
0x67: {  	_ =	shalt  }
0x68: {  	_ =	shalt  }
0x69: {  	_ =	shalt  }
0x6a: {  	_ =	shalt  }
0x6b: {  	_ =	shalt  }
0x6c: {  	_ =	shalt  }
0x6d: {  	_ =	shalt  }
0x6e: {  	_ =	shalt  }
0x6f: {  	_ =	shalt  }
0x70: {  	_ =	shalt  }
0x71: {  	_ =	shalt  }
0x72: {  	_ =	shalt  }
0x73: {  	_ =	shalt  }
0x74: {  	_ =	shalt  }
0x75: {  	_ =	shalt  }
0x76: {  	_ =	shalt  }
0x77: {  	_ =	shalt  }
0x78: {  	_ =	shalt  }
0x79: {  	_ =	shalt  }
0x7a: {  	_ =	shalt  }
0x7b: {  	_ =	shalt  }
0x7c: {  	_ =	shalt  }
0x7d: {  	_ =	shalt  }
0x7e: {  	_ =	shalt  }
0x7f: {  	_ =	shalt  }
0x80: {  	_ =	shalt  }
0x81: {  	_ =	shalt  }
0x82: {  	_ =	shalt  }
0x83: {  	_ =	shalt  }
0x84: {  	_ =	shalt  }
0x85: {  	_ =	shalt  }
0x86: {  	_ =	shalt  }
0x87: {  	_ =	shalt  }
.Lfunc_end0:
.L_simem_size_0:
called_computation_lowered:
.L_overlay_start_0:
0x88: {  	s2 =	sld [smem:$0x3FD9]  }
0x89: {  	s3 =	sld [smem:$0x3FFE];
	_ =	sdelay $0x1  }
0x8a: {  	s1 =	srdreg.scid  }
0x8b: {  	s0 =	sand.u32 $0x1, s1  }
0x8c: {  	s14 =	sshll.u32 s0, $0xA;
	s2 =	sadd.s32 s3, s2  }
0x8d: {  	s2 =	sadd.s32 s2, s14  }
0x8e: {  	[smem:$0x3FBB] =	sst s2  }
0x8f: {  	_ = 	snop  }
0x90: {  	s2 =	sld [smem:$0x3FD0];
	_ =	sdelay $0x2  }
0x91: {  	s4 =	simm.s32 $0xA;
	s5 =	simm.s32 $0x10;
	s15 =	sld [smem:$0x3FC6]  }
0x92: {  	[smem:s5], [sflag:s4] =	dma.local [hbm:s2], $0x1  }
0x93: {  	_ =	swait.eq [sflag:s4], $0x1  }
0x94: {  	[sflag:s4] =	ssyncset.done $0x0  }
0x95: {  	[sflag:s4] =	ssyncadd.s32 $0xFFFFFFFF  }
0x96: {  	s16 =	sld [smem:$0x11];
	(tm) =	ssettm $0x1  }
0x97: {  	s17 =	sld [smem:$0x3FFB];
	_ =	sdelay $0x3  }
0x98: {  	_ =	strace s17  }
0x99: {  	s4 =	sld [smem:$0x3FFC];
	_ =	sdelay $0x3  }
0x9a: {  	_ =	strace s4  }
0x9b: {  	s4 =	sld [smem:$0x3FFD];
	_ =	sdelay $0x3  }
0x9c: {  	_ =	strace s4  }
0x9d: {  	_ =	strace $0x8FFFFFFF  }
0x9e: {  	s18 =	sld [smem:$0x3FDB];
	_ =	sdelay $0x1  }
0x9f: {  	s19 =	simm.s32 $_scs_section_size  }
0xa0: {  	s6 =	simm.s32 $_size__tile_overlayer_lowered;
	s7 =	simm.s32 $_tile_overlayer_lowered  }
0xa1: {  	s22 =	simm.s32 $0x1BFF;
	s21 =	sshll.u32 s7, $0x1;
	s4 =	sadd.s32 s19, s18  }
0xa2: {  	s8 =	simm.s32 $0x0;
	s20 =	sshll.u32 s6, $0x1;
	s6 =	sadd.s32 s21, s4  }
0xa3: {  	[timem:s8], [sflag:s22] =	dma.local [hbm:s6], s20  }
0xa4: {  	_ =	swait.ge [sflag:s22], s20  }
0xa5: {  	s5 =	ssub.s32 $0x0, s20;
	[sflag:s22] =	ssyncset.done $0x0  }
0xa6: {  	[sflag:s22] =	ssyncadd.s32 s5;
	_ =	sdelay $0x1  }
0xa7: {  	s23 =	simm.s32 $0x1B8B  }
0xa8: {  	_ =	swait.ge [sflag:s23], $0x1  }
0xa9: {  	[sflag:s23] =	ssyncset.done $0x0  }
0xaa: {  	s25 =	simm.s32 $0x1B8E;
	s24 =	sld [smem:$0x3FFE];
	[sflag:s23] =	ssyncadd.s32 $0xFFFFFFFF  }
0xab: {  	s26 =	simm.s32 $execute0_lowered;
	[smem:$0x3FD2] =	sst s25  }
0xac: {  	s6 =	sshll.u32 s26, $0x1;
	_ =	strace $0x80000046;
	[dreg:$0x1] =	wrdreg $0xFFFFFFFF  }
0xad: {  	s28 =	simm.s32 $_size_execute0_lowered;
	s4 =	sadd.s32 s4, s6;
	[dreg:$0x0] =	wrdreg $0x0  }
0xae: {  	s6 =	sshll.u32 s28, $0x1;
	[dreg:$0x2] =	wrdreg s4  }
0xaf: {  	[dreg:$0x3] =	wrdreg s6  }
0xb0: {  	[dreg:$0x4] =	wrdreg $0xC0  }
0xb1: {  	_ =	task [dreg:s8], $0x5FFFF  }
0xb2: {  	[dreg:$0x1] =	wrdreg $0xFFFFFFFF  }
0xb3: {  	[dreg:$0x0] =	wrdreg $0x60  }
0xb4: {  	[dreg:$0x2] =	wrdreg s24  }
0xb5: {  	[dreg:$0x3] =	wrdreg s15  }
0xb6: {  	[dreg:$0x4] =	wrdreg s16  }
0xb7: {  	[dreg:$0x5] =	wrdreg $0x9  }
0xb8: {  	_ =	task.clear_ibuf [dreg:s8], $0x6FFFF;
	_ =	strace $0x90000046  }
0xb9: {  	s29 =	simm.s32 $0x9;
	_ =	strace $0x80000048  }
0xba: {  	_ =	swait.ge [sflag:s29], $0x1  }
0xbb: {  	[sflag:s29] =	ssyncadd.s32 $0xFFFFFFFF  }
0xbc: {  	_ =	strace $0x90000048  }
0xbd: {  	_ =	sfence  }
0xbe: {  	s30 =	sld [smem:$0x0];
	_ =	sdelay $0x2  }
0xbf: {  	s31 =	sshll.u32 s1, $0xD;
	s1 =	sshrl.u32 s1, $0x2  }
0xc0: {  	s3 =	sand.u32 $0x4000, s31;
	s1 =	sadd.s32 s1, s30  }
0xc1: {  	s0 =	sor.u32 s3, s0;
	s1 =	sshll.u32 s1, $0x11  }
0xc2: {  	s0 =	sor.u32 s1, s0  }
0xc3: {  	s0 =	sadd.s32 $0x8F2B, s0  }
0xc4: {  	[sflag:s0] =	ssyncadd.remote.s32 $0x1  }
0xc5: {  	_ =	sfence.sel $0xFFFF  }
0xc6: {  	[dreg:$0x0] =	wrdreg $0xFFFFFFFF;
	(pc) =	sbr.abs _section_cstart, $3  }
0xc7: {  	[dreg:$0x1] =	wrdreg $0xFFFFFFFF  }
0xc8: {  	_ =	task.clear_ibuf [dreg:s8], $0x2FFFF;
	_ =	strace $0x9FFFFFFF  }
0xc9: {  	(tm) =	ssettm $0x7FFFFFFF  }
tec
execute0_lowered:
.L_overlay_start_1:
0x0: {  	(tag) =	ssettag $0x1  }
0x1: {  	s0 =	rddreg [dreg:$0x0]  }
0x2: {  	s1 =	srdreg.scid;
	s3 =	stileid.u32  }
0x3: {  	s2 =	rddreg [dreg:$0x1];
	s17 =	simm.s32 $0x9E00;
	s19 =	simm.s32 $0x6  }
0x4: {  	s20 =	simm.s32 $0xC700;
	s29 =	simm.s32 $0x7680;
	s30 =	simm.s32 $0x1  }
0x5: {  	s31 =	simm.s32 $0x16900;
	s15 =	simm.s32 $0x1D800;
	s16 =	simm.s32 $0x1E400  }
0x6: {  	s1 =	sand.u32 $0x1, s1;
	s3 =	sshll.u32 s3, $0x1;
	s6 =	sadd.s32 $0x14800, s0  }
0x7: {  	s22 =	sadd.s32 $0x14A00, s0;
	s7 =	sadd.s32 $0x3C200, s0;
	s4 =	sor.u32 s1, s3  }
0x8: {  	s3 =	simm.s32 $0x0;
	s1 =	ssub.s32 $0x2, s1;
	s5 =	smul.u32 $0x4E2, s4  }
0x9: {  	[smem:$0x7FF] =	sst s3;
	s9 =	smul.u32 $0x180, s4;
	s23 =	sshrl.u32 s1, $0x1  }
0xa: {  	p0 =	sne.s32 s4, $0x0;
	_ =	strace $0x80000047;
	[dreg:$0x4] =	wrdreg s6  }
0xb: {  	[dreg:$0x5] =	wrdreg s22;
	s6 =	sadd.s32 $0x15000, s0;
	s22 =	simm.s32 $0xC900  }
0xc: {  	s8 =	sadd.s32 s5, s0;
	s13 =	sadd.s32 s9, s0;
	s0 =	sadd.s32 $0x69400, s0  }
0xd: {  	s26 =	sadd.s32 s2, s5;
	s2 =	simm.s32 $0x1B800;
	[dreg:$0x6] =	wrdreg s0  }
.Ltmp0:
0xe: {  	s0 =	ssub.s32 s1, s23;
	s24 =	sadd.s32 $0xAA00, s8;
	(pc) =	sbr.rel .LBB2_1-.Ltmp0, $4  }
0xf: {  	v4 =	vlaneseq.u32;
	s25 =	sadd.s32 $0xC00, s8;
	[dreg:$0x9] =	wrdreg s26;
	s28 =	sadd.s32 $0x63400, s13  }
0x10: {  	v1 =	vmul.u32 $0x80, v4;
	s13 =	sadd.s32 $0x66400, s13;
	s1 =	simm.s32 $0x19080;
	[dreg:$0x7] =	wrdreg s24  }
0x11: {  	s8 =	simm.s32 $0x3;
	s23 =	simm.s32 $0x0;
	[dreg:$0x8] =	wrdreg s25  }
0x12: {  	v0 =	vimm.s32 $0xFFFFFFFF;
	v2 =	vimm.s32 $0x0;
	[tilespmem:$0x1FFF0] =	vst v1;
	[dreg:$0xa] =	wrdreg s28;
	s14 =	smax.u32 s0, $0x1;
	s0 =	simm.s32 $0x2  }
.LBB2_16:
0x13: {  	s23 =	sadd.s32 $0x1, s23  }
0x14: {  	p1 =	sne.s32 s23, s14  }
.Ltmp1:
0x15: {  	_ = 	snop;
	(pc) =	sbr.rel @!p1 .LBB2_17-.Ltmp1, $2  }
0x16: {  	_ =	sdelay $0x2  }
0x17: {  	v2 =	vimm.s32 $0x0  }
.LBB2_1:
0x18: {  	s4 =	rddreg [dreg:$0x7]  }
0x19: {  	[tilespmem:s3], [sflag:$0x1] =	stream.linear.gather [hbm4b:s4+s3], $0x2710, $0x38;
	[tilespmem:$0x1F180] =	vst v63  }
0x1a: {  	s28 =	rddreg [dreg:$0x8];
	s5 =	simm.s32 $0x2780  }
0x1b: {  	[tilespmem:s5], [sflag:$0x1] =	stream.linear.gather [hbm4b:s28+s3], $0x2710, $0x38;
	[tilespmem:$0x1F180] =	vst v63  }
0x1c: {  	s9 =	simm.s32 $0x4F00;
	s5 =	rddreg [dreg:$0x9]  }
0x1d: {  	[tilespmem:s9], [sflag:$0x1] =	stream.linear.gather [hbm4b:s5+s3], $0x2710, $0x38;
	[tilespmem:$0x1F180] =	vst v63  }
0x1e: {  	s10 =	rddreg [dreg:$0x5]  }
0x1f: {  	[tilespmem:s17], [sflag:$0x2] =	stream.linear.gather [hbm4b:s10+s3], $0x2780, $0x38;
	[tilespmem:$0x1F180] =	vst v63  }
0x20: {  	s11 =	rddreg [dreg:$0x4];
	s12 =	simm.s32 $0xC580  }
0x21: {  	[tilespmem:s12], [sflag:$0x6] =	stream.linear.gather [hbm4b:s11+s3], $0x180, $0x38;
	[tilespmem:$0x1F180] =	vst v63  }
0x22: {  	_ =	swait.ge [sflag:s19], $0x180  }
0x23: {  	[sflag:s19] =	ssyncset.done $0x0  }
0x24: {  	[sflag:s19] =	ssyncadd.s32 $0xFFFFFE80  }
0x25: {  	s18 =	rddreg [dreg:$0x2]  }
0x26: {  	[tilespmem:s20], [sflag:$0x6] =	stream.linear.gather [hbm4b:s18+s3], $0x200, $0x38;
	[tilespmem:$0x1F180] =	vst v63  }
0x27: {  	_ =	swait.ge [sflag:s19], $0x200  }
0x28: {  	[sflag:s19] =	ssyncset.done $0x0  }
0x29: {  	s21 =	simm.s32 $0x80;
	s24 =	simm.s32 $0xC600;
	[sflag:s19] =	ssyncadd.s32 $0xFFFFFE00  }
0x2a: {  	[tilespmem:s22], [sflag:$0x3] =	stream.indirect.gather [hbm4b:s6+s21], $0x80, s12, s21, $0xb8;
	[tilespmem:$0x1F180] =	vst v63  }
0x2b: {  	s25 =	simm.s32 $0x40;
	s26 =	simm.s32 $0xC680;
	s9 =	simm.s32 $0x10900  }
0x2c: {  	[tilespmem:s9], [sflag:$0x3] =	stream.indirect.gather [hbm4b:s6+s21], $0x80, s24, s21, $0xb8;
	[tilespmem:$0x1F180] =	vst v63  }
0x2d: {  	s4 =	simm.s32 $0x0;
	s28 =	simm.s32 $0x14900;
	s5 =	simm.s32 $0x140  }
0x2e: {  	[tilespmem:s28], [sflag:$0x3] =	stream.indirect.gather [hbm4b:s6+s25], $0x80, s26, s25, $0xb8;
	[tilespmem:$0x1F180] =	vst v63  }
.LBB2_2:
0x2f: {  	p1 =	sne.s32 s5, $0x9B00;
	[tilespmem:s4+$0x76C0] =	vst v0;
	s18 =	smov.u32 s5;
	s5 =	sadd.s32 $0x140, s5  }
.Ltmp2:
0x30: {  	[tilespmem:s4+$0x76B0] =	vst v0;
	(pc) =	sbr.rel @p1 .LBB2_2-.Ltmp2, $4  }
0x31: {  	[tilespmem:s4+$0x76A0] =	vst v0  }
0x32: {  	[tilespmem:s4+$0x7680] =	vst v0  }
0x33: {  	[tilespmem:s4+$0x7690] =	vst v0  }
0x34: {  	s4 =	sshra.s32 s18, $0x2  }
0x35: {  	[tilespmem:s4+$0x76C0] =	vst v0  }
0x36: {  	[tilespmem:s4+$0x76B0] =	vst v0  }
0x37: {  	[tilespmem:s4+$0x76A0] =	vst v0  }
0x38: {  	[tilespmem:s4+$0x7680] =	vst v0  }
0x39: {  	[tilespmem:s4+$0x7690] =	vst v0;
	v1 =	vimm.f32 $0.0e+00  }
0x3a: {  	[tilespmem:$0x1D800] =	vst v1  }
0x3b: {  	[tilespmem:$0x1E400] =	vst v1  }
0x3c: {  	[tilespmem:$0x1D880] =	vst v1  }
0x3d: {  	[tilespmem:$0x1E480] =	vst v1  }
0x3e: {  	[tilespmem:$0x1D900] =	vst v1  }
0x3f: {  	[tilespmem:$0x1E500] =	vst v1  }
0x40: {  	[tilespmem:$0x1D980] =	vst v1  }
0x41: {  	[tilespmem:$0x1E580] =	vst v1  }
0x42: {  	[tilespmem:$0x1DA00] =	vst v1  }
0x43: {  	[tilespmem:$0x1E600] =	vst v1  }
0x44: {  	[tilespmem:$0x1DA80] =	vst v1  }
0x45: {  	[tilespmem:$0x1E680] =	vst v1  }
0x46: {  	[tilespmem:$0x1DB00] =	vst v1  }
0x47: {  	[tilespmem:$0x1E700] =	vst v1  }
0x48: {  	[tilespmem:$0x1DB80] =	vst v1  }
0x49: {  	[tilespmem:$0x1E780] =	vst v1  }
0x4a: {  	[tilespmem:$0x1DC00] =	vst v1  }
0x4b: {  	[tilespmem:$0x1E800] =	vst v1  }
0x4c: {  	[tilespmem:$0x1DC80] =	vst v1  }
0x4d: {  	[tilespmem:$0x1E880] =	vst v1  }
0x4e: {  	[tilespmem:$0x1DD00] =	vst v1  }
0x4f: {  	[tilespmem:$0x1E900] =	vst v1  }
0x50: {  	[tilespmem:$0x1DD80] =	vst v1  }
0x51: {  	[tilespmem:$0x1E980] =	vst v1  }
0x52: {  	[tilespmem:$0x1DE00] =	vst v1  }
0x53: {  	[tilespmem:$0x1EA00] =	vst v1  }
0x54: {  	[tilespmem:$0x1DE80] =	vst v1  }
0x55: {  	[tilespmem:$0x1EA80] =	vst v1  }
0x56: {  	[tilespmem:$0x1DF00] =	vst v1  }
0x57: {  	[tilespmem:$0x1EB00] =	vst v1  }
0x58: {  	[tilespmem:$0x1DF80] =	vst v1  }
0x59: {  	[tilespmem:$0x1EB80] =	vst v1  }
0x5a: {  	[tilespmem:$0x1E000] =	vst v1  }
0x5b: {  	[tilespmem:$0x1EC00] =	vst v1  }
0x5c: {  	[tilespmem:$0x1E080] =	vst v1  }
0x5d: {  	[tilespmem:$0x1EC80] =	vst v1  }
0x5e: {  	[tilespmem:$0x1E100] =	vst v1  }
0x5f: {  	[tilespmem:$0x1ED00] =	vst v1  }
0x60: {  	[tilespmem:$0x1E180] =	vst v1  }
0x61: {  	s4 =	simm.s32 $0xC580;
	[tilespmem:$0x1ED80] =	vst v1  }
0x62: {  	s5 =	simm.s32 $0x0;
	s18 =	simm.s32 $0x10;
	v5 =	vld [tilespmem:s4+$0x0]  }
.LBB2_4:
0x63: {  	p1 =	sne.s32 s18, $0x130;
	_ =	sdelay $0x3  }
.Ltmp3:
0x64: {  	(pc) =	sbr.rel @p1 .LBB2_4-.Ltmp3, $4  }
0x65: {  	_ = 	snop  }
0x66: {  	v6 =	vor.u32 s5, v4;
	s5 =	smov.u32 s18  }
0x67: {  	s4 =	sadd.s32 $0x10, s4;
	[tilespmem:v5+s29+$0x0] =	vst.idx.msk $0xffff, v6  }
0x68: {  	s18 =	sadd.s32 $0x10, s18;
	v5 =	vld [tilespmem:s4+$0x0]  }
0x69: {  	_ =	sdelay $0x6  }
0x6a: {  	v6 =	vor.u32 s5, v4  }
0x6b: {  	[tilespmem:v5+s29+$0x0] =	vst.idx.msk $0xffff, v6  }
0x6c: {  	_ =	swait.ge [sflag:s30], $0x2710  }
0x6d: {  	[sflag:s30] =	ssyncset.done $0x0  }
0x6e: {  	[sflag:s30] =	ssyncadd.s32 $0xFFFFD8F0  }
0x6f: {  	_ =	swait.ge [sflag:s30], $0x2710  }
0x70: {  	[sflag:s30] =	ssyncset.done $0x0  }
0x71: {  	[sflag:s30] =	ssyncadd.s32 $0xFFFFD8F0  }
0x72: {  	_ =	swait.ge [sflag:s30], $0x2710  }
0x73: {  	[sflag:s30] =	ssyncset.done $0x0  }
0x74: {  	s4 =	simm.s32 $0x0;
	v5 =	vimm.s32 $0x0;
	[sflag:s30] =	ssyncadd.s32 $0xFFFFD8F0  }
.LBB2_6:
0x75: {  	s5 =	sshra.s32 s4, $0x2  }
0x76: {  	v6 =	vld [tilespmem:s5+$0x0];
	_ =	sdelay $0x7  }
0x77: {  	v6 =	vld.idx.msk [tilespmem:v6+s29+$0x0], $0xffff;
	_ =	sdelay $0x4  }
0x78: {  	vm0 =	vgt.s32 v6, $0xFFFFFFFF  }
0x79: {  	v7 =	vsel vm0, $0x1, v2  }
0x7a: {  	(xrf0) =	vadd.scan.msk.s32 $0xffff, v7;
	_ =	sdelay $0x5  }
0x7b: {  	v7, _, _ =	vpop (xrf0)  }
0x7c: {  	v8 =	vld [tilespmem:s5+$0x4F00];
	v7 =	vadd.s32 v7, v5  }
0x7d: {  	v9 =	vld [tilespmem:s5+$0x2780];
	v7 =	vadd.s32 $0xFFFFFFFF, v7;
	_ =	sdelay $0x3  }
0x7e: {  	v8 =	vshll.u32 v8, $0x9  }
0x7f: {  	v6 =	vadd.s32 v6, v8;
	[tilespmem:v7+s31+$0x0] =	vst.idx.msk vm0, v9  }
0x80: {  	[tilespmem:v7+s1+$0x0] =	vst.idx.msk vm0, v6  }
0x81: {  	v6 =	vld [tilespmem:s5+$0x10];
	_ =	sdelay $0x7  }
0x82: {  	v6 =	vld.idx.msk [tilespmem:v6+s29+$0x0], $0xffff;
	_ =	sdelay $0x4  }
0x83: {  	vm1 =	vgt.s32 v6, $0xFFFFFFFF  }
0x84: {  	v7 =	vsel vm1, $0x1, v2  }
0x85: {  	(xrf0) =	vadd.scan.msk.s32 $0xffff, v7;
	_ =	sdelay $0x1  }
0x86: {  	v7 =	vmpcnt.ones.xlane vm0;
	_ =	sdelay $0x3  }
0x87: {  	v5 =	vadd.s32 v5, v7;
	v7, _, _ =	vpop (xrf0)  }
0x88: {  	v60 =	vld [tilespmem:s5+$0x4F10];
	v7 =	vadd.s32 v7, v5  }
0x89: {  	v9 =	vld [tilespmem:s5+$0x2790];
	v7 =	vadd.s32 $0xFFFFFFFF, v7;
	_ =	sdelay $0x3  }
0x8a: {  	v8 =	vshll.u32 v60, $0x9  }
0x8b: {  	v6 =	vadd.s32 v6, v8;
	[tilespmem:v7+s31+$0x0] =	vst.idx.msk vm1, v9  }
0x8c: {  	[tilespmem:v7+s1+$0x0] =	vst.idx.msk vm1, v6  }
0x8d: {  	v6 =	vld [tilespmem:s5+$0x20];
	_ =	sdelay $0x7  }
0x8e: {  	v6 =	vld.idx.msk [tilespmem:v6+s29+$0x0], $0xffff;
	_ =	sdelay $0x4  }
0x8f: {  	vm13 =	vgt.s32 v6, $0xFFFFFFFF  }
0x90: {  	v7 =	vsel vm13, $0x1, v2  }
0x91: {  	(xrf0) =	vadd.scan.msk.s32 $0xffff, v7;
	_ =	sdelay $0x1  }
0x92: {  	v7 =	vmpcnt.ones.xlane vm1;
	_ =	sdelay $0x3  }
0x93: {  	v5 =	vadd.s32 v5, v7;
	v7, _, _ =	vpop (xrf0)  }
0x94: {  	v61 =	vld [tilespmem:s5+$0x4F20];
	v7 =	vadd.s32 v7, v5  }
0x95: {  	v9 =	vld [tilespmem:s5+$0x27A0];
	v7 =	vadd.s32 $0xFFFFFFFF, v7;
	_ =	sdelay $0x3  }
0x96: {  	v8 =	vshll.u32 v61, $0x9  }
0x97: {  	v6 =	vadd.s32 v6, v8;
	[tilespmem:v7+s31+$0x0] =	vst.idx.msk vm13, v9  }
0x98: {  	[tilespmem:v7+s1+$0x0] =	vst.idx.msk vm13, v6  }
0x99: {  	v6 =	vld [tilespmem:s5+$0x30];
	_ =	sdelay $0x7  }
0x9a: {  	v6 =	vld.idx.msk [tilespmem:v6+s29+$0x0], $0xffff;
	_ =	sdelay $0x4  }
0x9b: {  	vm14 =	vgt.s32 v6, $0xFFFFFFFF  }
0x9c: {  	v7 =	vsel vm14, $0x1, v2  }
0x9d: {  	(xrf0) =	vadd.scan.msk.s32 $0xffff, v7;
	_ =	sdelay $0x1  }
0x9e: {  	v7 =	vmpcnt.ones.xlane vm13;
	_ =	sdelay $0x3  }
0x9f: {  	v5 =	vadd.s32 v5, v7;
	v7, _, _ =	vpop (xrf0)  }
0xa0: {  	v62 =	vld [tilespmem:s5+$0x4F30];
	v7 =	vadd.s32 v7, v5  }
0xa1: {  	v9 =	vld [tilespmem:s5+$0x27B0];
	v7 =	vadd.s32 $0xFFFFFFFF, v7;
	_ =	sdelay $0x3  }
0xa2: {  	v8 =	vshll.u32 v62, $0x9  }
0xa3: {  	v6 =	vadd.s32 v6, v8;
	[tilespmem:v7+s31+$0x0] =	vst.idx.msk vm14, v9  }
0xa4: {  	[tilespmem:v7+s1+$0x0] =	vst.idx.msk vm14, v6  }
0xa5: {  	v6 =	vld [tilespmem:s5+$0x40];
	_ =	sdelay $0x7  }
0xa6: {  	v6 =	vld.idx.msk [tilespmem:v6+s29+$0x0], $0xffff;
	_ =	sdelay $0x4  }
0xa7: {  	vm15 =	vgt.s32 v6, $0xFFFFFFFF  }
0xa8: {  	v7 =	vsel vm15, $0x1, v2  }
0xa9: {  	(xrf0) =	vadd.scan.msk.s32 $0xffff, v7;
	_ =	sdelay $0x1  }
0xaa: {  	v7 =	vmpcnt.ones.xlane vm14;
	_ =	sdelay $0x3  }
0xab: {  	v5 =	vadd.s32 v5, v7;
	v7, _, _ =	vpop (xrf0)  }
0xac: {  	v63 =	vld [tilespmem:s5+$0x4F40];
	v7 =	vadd.s32 v7, v5  }
0xad: {  	v9 =	vld [tilespmem:s5+$0x27C0];
	v7 =	vadd.s32 $0xFFFFFFFF, v7  }
0xae: {  	p1 =	sne.s32 s4, $0x9B00  }
.Ltmp4:
0xaf: {  	_ = 	snop;
	(pc) =	sbr.rel @p1 .LBB2_6-.Ltmp4, $4  }
0xb0: {  	_ = 	snop  }
0xb1: {  	v8 =	vshll.u32 v63, $0x9;
	v10 =	vmpcnt.ones.xlane vm15  }
0xb2: {  	v6 =	vadd.s32 v6, v8;
	[tilespmem:v7+s31+$0x0] =	vst.idx.msk vm15, v9  }
0xb3: {  	s4 =	sadd.s32 $0x140, s4;
	v5 =	vadd.s32 v5, v10;
	[tilespmem:v7+s1+$0x0] =	vst.idx.msk vm15, v6  }
0xb4: {  	(v2sf) =	vpush v5, $0x0;
	_ =	sdelay $0xe  }
0xb5: {  	s4 =	spop (v2sf)  }
0xb6: {  	[tilespmem:s4+$0x16900] =	vst v2  }
0xb7: {  	[tilespmem:s4+$0x19080] =	vst v2  }
0xb8: {  	[tilespmem:s4+$0x16910] =	vst v2  }
0xb9: {  	[tilespmem:s4+$0x19090] =	vst v2  }
0xba: {  	s4 =	sadd.s32 $0x1F, s4;
	_ =	swait.ge [sflag:s0], $0x2780  }
0xbb: {  	s5 =	sand.u32 $0x1F, s4;
	s28 =	sshra.s32 s4, $0x1F;
	p2 =	slt.s32 s4, $0x1  }
0xbc: {  	[sflag:s0] =	ssyncset.done $0x0;
	p1 =	sne.s32 s5, $0x0;
	s5 =	sshrl.u32 s28, $0x1B  }
0xbd: {  	[sflag:s0] =	ssyncadd.s32 $0xFFFFD880;
	p1 =	por !p2, !p1;
	s4 =	sadd.s32 s5, s4  }
0xbe: {  	s5 =	simm.s32 $0x1;
	_ =	swait.ge [sflag:s8], $0x4000;
	p1 =	por !p1, !p1  }
0xbf: {  	s4 =	sshra.s32 s4, $0x5;
	[sflag:s8] =	ssyncset.done $0x0;
	s5 =	simm.s32 @!p1 $0x0  }
0xc0: {  	[sflag:s8] =	ssyncadd.s32 $0xFFFFC000;
	s24 =	ssub.s32 s4, s5  }
0xc1: {  	_ =	swait.ge [sflag:s8], $0x4000;
	p1 =	slt.s32 s24, $0x1  }
.Ltmp5:
0xc2: {  	[sflag:s8] =	ssyncset.done $0x0;
	(pc) =	sbr.rel @p1 .LBB2_14-.Ltmp5, $4  }
0xc3: {  	[sflag:s8] =	ssyncadd.s32 $0xFFFFC000  }
0xc4: {  	_ =	swait.ge [sflag:s8], $0x2000  }
0xc5: {  	[sflag:s8] =	ssyncset.done $0x0  }
0xc6: {  	[sflag:s8] =	ssyncadd.s32 $0xFFFFE000  }
0xc7: {  	s4 =	simm.s32 $0x20;
	p1 =	seq.s32 s24, $0x1;
	s25 =	simm.s32 $0x0  }
0xc8: {  	[tilespmem:s2], [sflag:$0x4] =	stream.indirect.gather [hbm4b:s7+s4], $0x80, s31, s4, $0xb8;
	[tilespmem:$0x1F180] =	vst v63  }
0xc9: {  	s4 =	simm.s32 @!p1 $0x20;
	s5 =	simm.s32 @!p1 $0x16920;
	s18 =	simm.s32 @!p1 $0x1C800  }
0xca: {  	v5 =	vbroadcast v5, $0x0;
	[tilespmem:s18], [sflag:$0x5] =	stream.indirect.gather @!p1 [hbm4b:s7+s4], $0x80, s5, s4, $0xb8;
	[tilespmem:$0x1F180] =	vst v63  }
.LBB2_9:
0xcb: {  	s26 =	sand.u32 $0x1, s25  }
0xcc: {  	s4 =	simm.s32 $0x4;
	p1 =	seq.s32 s26, $0x0  }
0xcd: {  	s4 =	simm.s32 @!p1 $0x5  }
0xce: {  	_ =	swait.ge [sflag:s4], $0x1000  }
0xcf: {  	s28 =	sshll.u32 s25, $0x5;
	p2 =	por $0x1, $0x1;
	[sflag:s4] =	ssyncset.done $0x0  }
0xd0: {  	s18 =	simm.s32 $0x0;
	[sflag:s4] =	ssyncadd.s32 $0xFFFFF000;
	s4 =	sshll.u32 s26, $0x5  }
.LBB2_10:
0xd1: {  	s9 =	sor.u32 s4, s18  }
0xd2: {  	s10 =	simm.s32 $0xF;
	s11 =	simm.s32 $0xD;
	s21 =	simm.s32 $0xB;
	v8 =	vmov s9  }
0xd3: {  	s5 =	sor.u32 s28, s18;
	s12 =	simm.s32 $0x9;
	v11 =	vmov s10;
	v12 =	vmov s11;
	v13 =	vmov s21  }
0xd4: {  	s9 =	simm.s32 $0xC;
	s10 =	simm.s32 $0xA;
	s21 =	simm.s32 $0x8;
	v18 =	vmov s12;
	v10 =	vshll.u32 v8, $0x7;
	v11 =	vand.u32 $0x7F, v11  }
0xd5: {  	s11 =	simm.s32 $0x5;
	s12 =	simm.s32 $0x6;
	v14 =	vmov s9;
	s9 =	simm.s32 $0x7;
	v15 =	vmov s10;
	v21 =	vmov s21  }
0xd6: {  	v1 =	vld [tilespmem:$0x1FFF0];
	s21 =	simm.s32 $0x4;
	v22 =	vmov s11;
	v23 =	vmov s12;
	s11 =	simm.s32 $0x1;
	s12 =	simm.s32 $0x2;
	v19 =	vmov s9  }
0xd7: {  	v6 =	vld [tilespmem:s5+$0x19080];
	v25 =	vmov s21;
	v27 =	vmov s11;
	v26 =	vmov s12  }
0xd8: {  	s9 =	simm.s32 $0x3;
	s21 =	simm.s32 $0x0;
	v16 =	vbroadcast v11, $0x0;
	v11 =	vand.u32 $0x7D, v12;
	v14 =	vand.u32 $0x7C, v14  }
0xd9: {  	v24 =	vmov s9;
	v12 =	vmov s21;
	v20 =	vbroadcast v11, $0x0  }
0xda: {  	v11 =	vand.u32 $0x7B, v13;
	v17 =	vbroadcast v14, $0x0;
	v27 =	vand.u32 $0x71, v27  }
0xdb: {  	v13 =	vand.u32 $0x7A, v15;
	v10 =	vor.u32 v1, v10;
	v61 =	vbroadcast v27, $0x0  }
0xdc: {  	v19 =	vand.u32 $0x77, v19;
	v7 =	vand.u32 $0x1FF, v6;
	v28 =	vor.u32 v10, v16  }
0xdd: {  	v15 =	vbroadcast v11, $0x0;
	v8 =	vshll.u32 v7, $0x7;
	v54 =	vor.u32 v10, v61  }
0xde: {  	v11 =	vand.u32 $0x79, v18;
	v14 =	vbroadcast v13, $0x0;
	v29 =	vor.u32 v8, v20  }
0xdf: {  	v18 =	vand.u32 $0x78, v21;
	v34 =	vbroadcast v19, $0x0;
	v30 =	vor.u32 v8, v17  }
0xe0: {  	v19 =	vand.u32 $0x75, v22;
	v13 =	vbroadcast v11, $0x0;
	v11 =	vld [tilespmem:s5+$0x16900];
	v31 =	vor.u32 v8, v15  }
0xe1: {  	v32 =	vbroadcast v18, $0x0;
	v18 =	vand.u32 $0x76, v23;
	v33 =	vor.u32 v8, v14;
	v21 =	vld.idx.msk [tilespmem:v28+s2+$0x0], $0xffff  }
0xe2: {  	v23 =	vand.u32 $0x74, v25;
	v25 =	vbroadcast v19, $0x0;
	v35 =	vor.u32 v8, v13;
	v54 =	vld.idx.msk [tilespmem:v54+s2+$0x0], $0xffff  }
0xe3: {  	v12 =	vand.u32 $0x70, v12;
	v22 =	vor.u32 v8, v32;
	v28 =	vbroadcast v18, $0x0;
	v18 =	vld.idx.msk [tilespmem:v29+s22+$0x0], $0xffff  }
0xe4: {  	v24 =	vand.u32 $0x73, v24;
	v12 =	vbroadcast v12, $0x0;
	v38 =	vor.u32 v8, v25;
	v19 =	vld.idx.msk [tilespmem:v30+s22+$0x0], $0xffff  }
0xe5: {  	v9 =	vshrl.u32 v6, $0x2;
	v42 =	vor.u32 v8, v61;
	v30 =	vbroadcast v23, $0x0;
	v23 =	vld.idx.msk [tilespmem:v31+s22+$0x0], $0xffff  }
0xe6: {  	s18 =	simm.s32 $0x1F;
	v9 =	vand.u32 $0x3FFFFF80, v9;
	v44 =	vor.u32 v8, v12;
	v31 =	vand.u32 $0x72, v26;
	v26 =	vld.idx.msk [tilespmem:v33+s22+$0x0], $0xffff  }
0xe7: {  	v40 =	vmov s18;
	v37 =	vbroadcast v24, $0x0;
	v51 =	vor.u32 v9, v12;
	v24 =	vld.idx.msk [tilespmem:v35+s22+$0x0], $0xffff  }
0xe8: {  	s10 =	simm.s32 $0x1D;
	v40 =	vand.u32 $0x7F, v40;
	s12 =	simm.s32 $0xE;
	v48 =	vor.u32 v10, v12;
	v22 =	vld.idx.msk [tilespmem:v22+s22+$0x0], $0xffff  }
0xe9: {  	s11 =	simm.s32 $0x1C;
	v43 =	vmov s10;
	s10 =	simm.s32 $0x19;
	v45 =	vmov s12;
	v2 =	vor.u32 v10, v25;
	v38 =	vld.idx.msk [tilespmem:v38+s22+$0x0], $0xffff  }
0xea: {  	s21 =	simm.s32 $0x1B;
	v47 =	vmov s11;
	v49 =	vmov s10;
	v29 =	vor.u32 v8, v34;
	v42 =	vld.idx.msk [tilespmem:v42+s22+$0x0], $0xffff  }
0xeb: {  	s12 =	simm.s32 $0x1A;
	v43 =	vand.u32 $0x7D, v43;
	v46 =	vmov s21;
	v35 =	vor.u32 v9, v61;
	v44 =	vld.idx.msk [tilespmem:v44+s22+$0x0], $0xffff  }
0xec: {  	s11 =	simm.s32 $0x17;
	v50 =	vmov s12;
	v12 =	vbroadcast v40, $0x0;
	v40 =	vld.idx.msk [tilespmem:v51+s20+$0x0], $0xffff;
	v51 =	vor.u32 v10, v37  }
0xed: {  	s10 =	simm.s32 $0x15;
	v52 =	vmov s11;
	v39 =	vor.u32 v8, v37;
	v48 =	vld.idx.msk [tilespmem:v48+s2+$0x0], $0xffff;
	v37 =	vor.u32 v9, v37  }
0xee: {  	v55 =	vmov s10;
	v2 =	vld.idx.msk [tilespmem:v2+s2+$0x0], $0xffff;
	v31 =	vbroadcast v31, $0x0;
	v60 =	vor.u32 v8, v30  }
0xef: {  	s21 =	simm.s32 $0x18;
	v45 =	vand.u32 $0x7E, v45;
	v47 =	vand.u32 $0x7C, v47;
	v63 =	vor.u32 v10, v30;
	v27 =	vld.idx.msk [tilespmem:v29+s22+$0x0], $0xffff  }
0xf0: {  	s12 =	simm.s32 $0x16;
	v49 =	vand.u32 $0x79, v49;
	v53 =	vmov s21;
	v59 =	vor.u32 v10, v31;
	v35 =	vld.idx.msk [tilespmem:v35+s20+$0x0], $0xffff  }
0xf1: {  	s11 =	simm.s32 $0x13;
	v56 =	vmov s12;
	v41 =	vor.u32 v8, v31;
	v31 =	vor.u32 v9, v31;
	v51 =	vld.idx.msk [tilespmem:v51+s2+$0x0], $0xffff  }
0xf2: {  	v57 =	vmov s11;
	v46 =	vand.u32 $0x7B, v46;
	v30 =	vor.u32 v9, v30;
	v37 =	vld.idx.msk [tilespmem:v37+s20+$0x0], $0xffff  }
0xf3: {  	s21 =	simm.s32 $0x14;
	v50 =	vand.u32 $0x7A, v50;
	v52 =	vand.u32 $0x77, v52;
	v55 =	vand.u32 $0x75, v55;
	v33 =	vld.idx.msk [tilespmem:v60+s22+$0x0], $0xffff  }
0xf4: {  	v45 =	vbroadcast v45, $0x0;
	v58 =	vmov s21;
	v25 =	vor.u32 v9, v25;
	v63 =	vld.idx.msk [tilespmem:v63+s2+$0x0], $0xffff  }
0xf5: {  	s21 =	simm.s32 $0x10;
	v53 =	vand.u32 $0x78, v53;
	v56 =	vand.u32 $0x76, v56;
	v40 =	vadd.f32 v40, v48;
	v59 =	vld.idx.msk [tilespmem:v59+s2+$0x0], $0xffff  }
0xf6: {  	v57 =	vand.u32 $0x73, v57;
	v62 =	vmov s21;
	v36 =	vor.u32 v8, v28;
	v31 =	vld.idx.msk [tilespmem:v31+s20+$0x0], $0xffff  }
0xf7: {  	s10 =	simm.s32 $0x11;
	v48 =	vor.u32 v10, v28;
	v28 =	vor.u32 v9, v28;
	v40 =	vmul.f32 v40, v44;
	v30 =	vld.idx.msk [tilespmem:v30+s20+$0x0], $0xffff  }
0xf8: {  	v58 =	vand.u32 $0x74, v58;
	v29 =	vimm.f32 $0.0e+00;
	v60 =	vmov s10;
	v41 =	vld.idx.msk [tilespmem:v41+s22+$0x0], $0xffff  }
0xf9: {  	s12 =	simm.s32 $0x12;
	v44 =	vor.u32 v10, v34;
	v29 =	vadd.f32 v40, v29;
	v40 =	vld.idx.msk [tilespmem:v25+s20+$0x0], $0xffff;
	v35 =	vadd.f32 v35, v54  }
0xfa: {  	v39 =	vld.idx.msk [tilespmem:v39+s22+$0x0], $0xffff;
	v61 =	vmov s12;
	v34 =	vor.u32 v9, v34;
	v54 =	vand.u32 $0x71, v60  }
0xfb: {  	v36 =	vld.idx.msk [tilespmem:v36+s22+$0x0], $0xffff;
	v60 =	vor.u32 v10, v32;
	v35 =	vmul.f32 v35, v42;
	v31 =	vadd.f32 v31, v59  }
0xfc: {  	v25 =	vand.u32 $0x70, v62;
	v62 =	vadd.f32 v37, v51;
	v28 =	vld.idx.msk [tilespmem:v28+s20+$0x0], $0xffff;
	v51 =	vor.u32 v10, v14  }
0xfd: {  	v32 =	vor.u32 v9, v32;
	v42 =	vld.idx.msk [tilespmem:v48+s2+$0x0], $0xffff;
	v29 =	vadd.f32 v35, v29;
	v31 =	vmul.f32 v31, v41  }
0xfe: {  	v48 =	vor.u32 v10, v13;
	v37 =	vld.idx.msk [tilespmem:v44+s2+$0x0], $0xffff;
	v30 =	vadd.f32 v30, v63;
	v2 =	vadd.f32 v40, v2  }
0xff: {  	v34 =	vld.idx.msk [tilespmem:v34+s20+$0x0], $0xffff;
	v41 =	vor.u32 v9, v13;
	v29 =	vadd.f32 v31, v29;
	v31 =	vmul.f32 v62, v39  }
0x100: {  	v61 =	vand.u32 $0x72, v61;
	v63 =	vor.u32 v10, v20;
	v59 =	vor.u32 v9, v14;
	v35 =	vld.idx.msk [tilespmem:v60+s2+$0x0], $0xffff  }
0x101: {  	v30 =	vmul.f32 v30, v33;
	v2 =	vmul.f32 v2, v38;
	v38 =	vld.idx.msk [tilespmem:v51+s2+$0x0], $0xffff;
	v29 =	vadd.f32 v31, v29  }
0x102: {  	v14 =	vbroadcast v47, $0x0;
	v47 =	vor.u32 v10, v17;
	v60 =	vor.u32 v10, v15;
	v31 =	vld.idx.msk [tilespmem:v32+s20+$0x0], $0xffff  }
0x103: {  	v62 =	vor.u32 v9, v15;
	v28 =	vadd.f32 v28, v42;
	v32 =	vld.idx.msk [tilespmem:v48+s2+$0x0], $0xffff;
	v29 =	vadd.f32 v30, v29  }
0x104: {  	v33 =	vbroadcast v58, $0x0;
	v13 =	vbroadcast v43, $0x0;
	v48 =	vor.u32 v9, v17;
	v30 =	vld.idx.msk [tilespmem:v41+s20+$0x0], $0xffff  }
0x105: {  	v63 =	vld.idx.msk [tilespmem:v63+s2+$0x0], $0xffff;
	v28 =	vmul.f32 v28, v36;
	v2 =	vadd.f32 v2, v29;
	v29 =	vadd.f32 v34, v37  }
0x106: {  	v51 =	vor.u32 v9, v20;
	v15 =	vbroadcast v46, $0x0;
	v44 =	vld.idx.msk [tilespmem:v59+s20+$0x0], $0xffff;
	v59 =	vor.u32 v10, v45  }
0x107: {  	v46 =	vld.idx.msk [tilespmem:v60+s2+$0x0], $0xffff;
	v2 =	vadd.f32 v28, v2;
	v27 =	vmul.f32 v29, v27;
	v28 =	vadd.f32 v31, v35  }
0x108: {  	v20 =	vbroadcast v49, $0x0;
	v60 =	vor.u32 v9, v45;
	v29 =	vld.idx.msk [tilespmem:v62+s20+$0x0], $0xffff;
	v62 =	vor.u32 v9, v16  }
0x109: {  	v31 =	vld.idx.msk [tilespmem:v47+s2+$0x0], $0xffff;
	v2 =	vadd.f32 v27, v2;
	v27 =	vmul.f32 v28, v22;
	v28 =	vadd.f32 v30, v32  }
0x10a: {  	v17 =	vbroadcast v50, $0x0;
	v47 =	vor.u32 v8, v45;
	v16 =	vor.u32 v8, v16;
	v30 =	vld.idx.msk [tilespmem:v48+s20+$0x0], $0xffff  }
0x10b: {  	v39 =	vld.idx.msk [tilespmem:v59+s2+$0x0], $0xffff;
	v2 =	vadd.f32 v27, v2;
	v27 =	vmul.f32 v28, v24;
	v28 =	vadd.f32 v44, v38  }
0x10c: {  	v50 =	vor.u32 v10, v12;
	v22 =	vbroadcast v53, $0x0;
	v48 =	vld.idx.msk [tilespmem:v51+s20+$0x0], $0xffff;
	v53 =	vor.u32 v8, v14  }
0x10d: {  	v51 =	vld.idx.msk [tilespmem:v60+s20+$0x0], $0xffff;
	v2 =	vadd.f32 v27, v2;
	v26 =	vmul.f32 v28, v26;
	v28 =	vadd.f32 v29, v46  }
0x10e: {  	v49 =	vor.u32 v8, v13;
	v35 =	vld.idx.msk [tilespmem:v62+s20+$0x0], $0xffff;
	v27 =	vbroadcast v56, $0x0;
	v56 =	vor.u32 v8, v20  }
0x10f: {  	v60 =	vld.idx.msk [tilespmem:v16+s22+$0x0], $0xffff;
	v2 =	vadd.f32 v26, v2;
	v23 =	vmul.f32 v28, v23;
	v26 =	vadd.f32 v30, v31  }
0x110: {  	v59 =	vor.u32 v8, v17;
	v24 =	vbroadcast v52, $0x0;
	v52 =	vor.u32 v8, v15;
	v28 =	vld.idx.msk [tilespmem:v47+s22+$0x0], $0xffff  }
0x111: {  	v29 =	vld.idx.msk [tilespmem:v50+s2+$0x0], $0xffff;
	v2 =	vadd.f32 v23, v2;
	v19 =	vmul.f32 v26, v19;
	v23 =	vadd.f32 v48, v63  }
0x112: {  	v32 =	vor.u32 v8, v24;
	v16 =	vld.idx.msk [tilespmem:v53+s22+$0x0], $0xffff;
	v62 =	vadd.f32 v51, v39;
	v26 =	vor.u32 v8, v22  }
0x113: {  	v30 =	vbroadcast v55, $0x0;
	v31 =	vld.idx.msk [tilespmem:v49+s22+$0x0], $0xffff;
	v2 =	vadd.f32 v19, v2;
	v23 =	vmul.f32 v23, v18  }
0x114: {  	v36 =	vbroadcast v57, $0x0;
	v40 =	vor.u32 v8, v27;
	v63 =	vadd.f32 v35, v21;
	v21 =	vld.idx.msk [tilespmem:v56+s22+$0x0], $0xffff  }
0x115: {  	v37 =	vor.u32 v8, v30;
	v18 =	vld.idx.msk [tilespmem:v52+s22+$0x0], $0xffff;
	v28 =	vmul.f32 v62, v28;
	v2 =	vadd.f32 v23, v2  }
0x116: {  	v34 =	vbroadcast v61, $0x0;
	v38 =	vor.u32 v8, v36;
	v39 =	vor.u32 v8, v33;
	v19 =	vld.idx.msk [tilespmem:v59+s22+$0x0], $0xffff  }
0x117: {  	p1 =	por p2, p2;
	s21 =	simm.s32 $0x2F;
	v35 =	vbroadcast v54, $0x0;
	v42 =	vmul.f32 v63, v60;
	v23 =	vld.idx.msk [tilespmem:v26+s22+$0x0], $0xffff;
	v41 =	vadd.f32 v28, v2  }
.LBB2_11:
0x118: {  	v2 =	vmov s21;
	p2 =	sne.s32 s21, $0x7F;
	v25 =	vbroadcast v25, $0x0;
	v43 =	vor.u32 v8, v34;
	v32 =	vld.idx.msk [tilespmem:v32+s22+$0x0], $0xffff;
	v26 =	vmovc v29;
	v28 =	vmovc v31  }
0x119: {  	s9 =	sadd.s32 $0xFFFFFFFE, s21;
	v31 =	vor.u32 v8, v35;
	s10 =	sadd.s32 $0xFFFFFFFF, s18;
	s18 =	smov.u32 s21;
	v2 =	vand.u32 $0x7F, v2;
	v29 =	vld.idx.msk [tilespmem:v40+s22+$0x0], $0xffff;
	v40 =	vadd.f32 v42, v41  }
0x11a: {  	s11 =	sadd.s32 $0xFFFFFFFC, s21;
	s12 =	sadd.s32 $0xFFFFFFFD, s21;
	v41 =	vmov s9;
	v44 =	vmov s10;
	v42 =	vor.u32 v8, v25;
	v37 =	vld.idx.msk [tilespmem:v37+s22+$0x0], $0xffff  }
0x11b: {  	s9 =	sadd.s32 $0xFFFFFFFA, s21;
	s10 =	sadd.s32 $0xFFFFFFFB, s21;
	v45 =	vmov s11;
	v46 =	vmov s12;
	v47 =	vor.u32 v10, v25;
	v39 =	vld.idx.msk [tilespmem:v39+s22+$0x0], $0xffff  }
0x11c: {  	s11 =	sadd.s32 $0xFFFFFFF8, s21;
	s12 =	sadd.s32 $0xFFFFFFF9, s21;
	v48 =	vmov s9;
	v49 =	vmov s10;
	v25 =	vor.u32 v9, v25;
	v50 =	vld.idx.msk [tilespmem:v38+s22+$0x0], $0xffff  }
0x11d: {  	v53 =	vor.u32 v10, v35;
	s9 =	sadd.s32 $0xFFFFFFF6, s21;
	s10 =	sadd.s32 $0xFFFFFFF7, s21;
	v51 =	vmov s11;
	v52 =	vmov s12;
	v43 =	vld.idx.msk [tilespmem:v43+s22+$0x0], $0xffff  }
0x11e: {  	s11 =	sadd.s32 $0xFFFFFFF4, s21;
	s12 =	sadd.s32 $0xFFFFFFF5, s21;
	v54 =	vmov s9;
	v55 =	vmov s10;
	v56 =	vld.idx.msk [tilespmem:v31+s22+$0x0], $0xffff;
	v31 =	vor.u32 v9, v35  }
0x11f: {  	v58 =	vor.u32 v10, v34;
	s9 =	sadd.s32 $0xFFFFFFF2, s21;
	s10 =	sadd.s32 $0xFFFFFFF3, s21;
	v57 =	vmov s12;
	v35 =	vmov s11;
	v42 =	vld.idx.msk [tilespmem:v42+s22+$0x0], $0xffff  }
0x120: {  	v34 =	vor.u32 v9, v34;
	v59 =	vmov s9;
	v60 =	vmov s10;
	s11 =	sadd.s32 $0xFFFFFFF1, s21;
	v47 =	vld.idx.msk [tilespmem:v47+s2+$0x0], $0xffff  }
0x121: {  	v38 =	vbroadcast v2, $0x0;
	v61 =	vmov s11;
	v2 =	vld.idx.msk [tilespmem:v25+s20+$0x0], $0xffff;
	v25 =	vor.u32 v10, v36  }
0x122: {  	v41 =	vand.u32 $0x7D, v41;
	v44 =	vand.u32 $0x7E, v44;
	v36 =	vor.u32 v9, v36;
	v53 =	vld.idx.msk [tilespmem:v53+s2+$0x0], $0xffff  }
0x123: {  	v63 =	vor.u32 v10, v33;
	v45 =	vand.u32 $0x7B, v45;
	v46 =	vand.u32 $0x7C, v46;
	v62 =	vld.idx.msk [tilespmem:v31+s20+$0x0], $0xffff  }
0x124: {  	v3 =	vor.u32 v9, v33;
	v48 =	vand.u32 $0x79, v48;
	v49 =	vand.u32 $0x7A, v49;
	v58 =	vld.idx.msk [tilespmem:v58+s2+$0x0], $0xffff  }
0x125: {  	v1 =	vor.u32 v10, v30;
	v51 =	vand.u32 $0x77, v51;
	v52 =	vand.u32 $0x78, v52;
	v4 =	vld.idx.msk [tilespmem:v34+s20+$0x0], $0xffff  }
0x126: {  	v33 =	vand.u32 $0x75, v54;
	v54 =	vand.u32 $0x76, v55;
	v55 =	vld.idx.msk [tilespmem:v25+s2+$0x0], $0xffff;
	v25 =	vor.u32 v9, v30  }
0x127: {  	v31 =	vand.u32 $0x74, v57;
	v2 =	vadd.f32 v2, v47;
	v47 =	vor.u32 v10, v27;
	v30 =	vld.idx.msk [tilespmem:v36+s20+$0x0], $0xffff  }
0x128: {  	v34 =	vand.u32 $0x72, v60;
	v27 =	vor.u32 v9, v27;
	v36 =	vand.u32 $0x73, v35;
	v57 =	vld.idx.msk [tilespmem:v63+s2+$0x0], $0xffff  }
0x129: {  	v2 =	vmul.f32 v2, v42;
	v42 =	vadd.f32 v62, v53;
	v53 =	vor.u32 v10, v24;
	v3 =	vld.idx.msk [tilespmem:v3+s20+$0x0], $0xffff  }
0x12a: {  	v35 =	vand.u32 $0x71, v59;
	v59 =	vor.u32 v10, v22;
	v24 =	vor.u32 v9, v24;
	v1 =	vld.idx.msk [tilespmem:v1+s2+$0x0], $0xffff  }
0x12b: {  	v2 =	vadd.f32 v2, v40;
	v40 =	vmul.f32 v42, v56;
	v4 =	vadd.f32 v4, v58;
	v42 =	vld.idx.msk [tilespmem:v25+s20+$0x0], $0xffff  }
0x12c: {  	v22 =	vor.u32 v9, v22;
	v56 =	vor.u32 v10, v20;
	v25 =	vand.u32 $0x70, v61;
	v47 =	vld.idx.msk [tilespmem:v47+s2+$0x0], $0xffff  }
0x12d: {  	v2 =	vadd.f32 v40, v2;
	v4 =	vmul.f32 v4, v43;
	v30 =	vadd.f32 v30, v55;
	v27 =	vld.idx.msk [tilespmem:v27+s20+$0x0], $0xffff  }
0x12e: {  	v44 =	vbroadcast v44, $0x0;
	v20 =	vor.u32 v9, v20;
	v43 =	vor.u32 v10, v17;
	v40 =	vld.idx.msk [tilespmem:v53+s2+$0x0], $0xffff  }
0x12f: {  	v2 =	vadd.f32 v4, v2;
	v4 =	vmul.f32 v30, v50;
	v3 =	vadd.f32 v3, v57;
	v24 =	vld.idx.msk [tilespmem:v24+s20+$0x0], $0xffff  }
0x130: {  	v17 =	vor.u32 v9, v17;
	v30 =	vbroadcast v41, $0x0;
	v50 =	vor.u32 v10, v15;
	v41 =	vld.idx.msk [tilespmem:v59+s2+$0x0], $0xffff  }
0x131: {  	v2 =	vadd.f32 v4, v2;
	v3 =	vmul.f32 v3, v39;
	v1 =	vadd.f32 v42, v1;
	v4 =	vld.idx.msk [tilespmem:v22+s20+$0x0], $0xffff  }
0x132: {  	v42 =	vor.u32 v9, v15;
	v22 =	vbroadcast v46, $0x0;
	v46 =	vor.u32 v10, v14;
	v39 =	vld.idx.msk [tilespmem:v56+s2+$0x0], $0xffff  }
0x133: {  	v2 =	vadd.f32 v3, v2;
	v1 =	vmul.f32 v1, v37;
	v3 =	vadd.f32 v27, v47;
	v27 =	vld.idx.msk [tilespmem:v20+s20+$0x0], $0xffff  }
0x134: {  	v15 =	vbroadcast v45, $0x0;
	v45 =	vor.u32 v10, v13;
	v37 =	vld.idx.msk [tilespmem:v43+s2+$0x0], $0xffff;
	v43 =	vor.u32 v9, v14;
	v14 =	vmovc v22  }
0x135: {  	v1 =	vadd.f32 v1, v2;
	v2 =	vmul.f32 v3, v29;
	v3 =	vadd.f32 v24, v40;
	v24 =	vld.idx.msk [tilespmem:v17+s20+$0x0], $0xffff  }
0x136: {  	v47 =	vor.u32 v10, v44;
	v40 =	vor.u32 v9, v13;
	v13 =	vmovc v30;
	v17 =	vbroadcast v49, $0x0;
	v29 =	vld.idx.msk [tilespmem:v50+s2+$0x0], $0xffff  }
0x137: {  	v1 =	vadd.f32 v2, v1;
	v2 =	vmul.f32 v3, v32;
	v3 =	vadd.f32 v4, v41;
	v4 =	vld.idx.msk [tilespmem:v42+s20+$0x0], $0xffff  }
0x138: {  	v20 =	vbroadcast v48, $0x0;
	v32 =	vor.u32 v9, v44;
	v41 =	vor.u32 v9, v12;
	v30 =	vld.idx.msk [tilespmem:v46+s2+$0x0], $0xffff  }
0x139: {  	v1 =	vadd.f32 v2, v1;
	v2 =	vmul.f32 v3, v23;
	v3 =	vadd.f32 v27, v39;
	v23 =	vld.idx.msk [tilespmem:v43+s20+$0x0], $0xffff  }
0x13a: {  	v22 =	vbroadcast v52, $0x0;
	v42 =	vor.u32 v8, v44;
	v43 =	vor.u32 v8, v12;
	v12 =	vmovc v38;
	v39 =	vld.idx.msk [tilespmem:v45+s2+$0x0], $0xffff  }
0x13b: {  	v1 =	vadd.f32 v2, v1;
	v2 =	vmul.f32 v3, v21;
	v3 =	vadd.f32 v24, v37;
	v21 =	vld.idx.msk [tilespmem:v40+s20+$0x0], $0xffff  }
0x13c: {  	v24 =	vbroadcast v51, $0x0;
	v37 =	vor.u32 v8, v13;
	v38 =	vor.u32 v10, v12;
	v40 =	vld.idx.msk [tilespmem:v47+s2+$0x0], $0xffff  }
0x13d: {  	v1 =	vadd.f32 v2, v1;
	v2 =	vmul.f32 v3, v19;
	v3 =	vadd.f32 v4, v29;
	v4 =	vld.idx.msk [tilespmem:v32+s20+$0x0], $0xffff  }
0x13e: {  	v44 =	vor.u32 v8, v14;
	v27 =	vbroadcast v54, $0x0;
	v19 =	vor.u32 v8, v15;
	v41 =	vld.idx.msk [tilespmem:v41+s20+$0x0], $0xffff  }
0x13f: {  	v1 =	vadd.f32 v2, v1;
	v2 =	vmul.f32 v3, v18;
	v3 =	vadd.f32 v23, v30;
	v23 =	vld.idx.msk [tilespmem:v42+s22+$0x0], $0xffff  }
0x140: {  	v45 =	vor.u32 v8, v17;
	v30 =	vbroadcast v33, $0x0;
	v42 =	vor.u32 v8, v20;
	v43 =	vld.idx.msk [tilespmem:v43+s22+$0x0], $0xffff  }
0x141: {  	v1 =	vadd.f32 v2, v1;
	v2 =	vmul.f32 v3, v16;
	v3 =	vadd.f32 v21, v39;
	v29 =	vld.idx.msk [tilespmem:v38+s2+$0x0], $0xffff  }
0x142: {  	v46 =	vor.u32 v8, v22;
	v32 =	vor.u32 v8, v24;
	v33 =	vbroadcast v31, $0x0;
	v31 =	vld.idx.msk [tilespmem:v37+s22+$0x0], $0xffff  }
.Ltmp6:
0x143: {  	v1 =	vadd.f32 v2, v1;
	v2 =	vmul.f32 v3, v28;
	v3 =	vadd.f32 v4, v40;
	v16 =	vld.idx.msk [tilespmem:v44+s22+$0x0], $0xffff;
	(pc) =	sbr.rel @p2 .LBB2_11-.Ltmp6, $4  }
0x144: {  	v36 =	vbroadcast v36, $0x0;
	v37 =	vor.u32 v8, v30;
	v40 =	vor.u32 v8, v27;
	v18 =	vld.idx.msk [tilespmem:v19+s22+$0x0], $0xffff  }
0x145: {  	v1 =	vadd.f32 v2, v1;
	v2 =	vmul.f32 v3, v23;
	v3 =	vadd.f32 v41, v26;
	v19 =	vld.idx.msk [tilespmem:v45+s22+$0x0], $0xffff  }
0x146: {  	v34 =	vbroadcast v34, $0x0;
	v35 =	vbroadcast v35, $0x0;
	v39 =	vor.u32 v8, v33;
	v21 =	vld.idx.msk [tilespmem:v42+s22+$0x0], $0xffff  }
0x147: {  	s21 =	sadd.s32 $0x10, s21;
	v38 =	vor.u32 v8, v36;
	v41 =	vadd.f32 v2, v1;
	v42 =	vmul.f32 v3, v43;
	v23 =	vld.idx.msk [tilespmem:v46+s22+$0x0], $0xffff  }
0x148: {  	_ =	sdelay $0x3  }
0x149: {  	v2 =	vor.u32 v8, v34;
	v3 =	vld.idx.msk [tilespmem:v32+s22+$0x0], $0xffff  }
0x14a: {  	v1 =	vbroadcast v25, $0x0;
	v4 =	vor.u32 v8, v35;
	v25 =	vld.idx.msk [tilespmem:v40+s22+$0x0], $0xffff  }
0x14b: {  	v28 =	vld.idx.msk [tilespmem:v37+s22+$0x0], $0xffff;
	v60 =	vor.u32 v10, v35  }
0x14c: {  	v37 =	vld.idx.msk [tilespmem:v39+s22+$0x0], $0xffff;
	v59 =	vor.u32 v10, v1  }
0x14d: {  	v38 =	vld.idx.msk [tilespmem:v38+s22+$0x0], $0xffff;
	v26 =	vor.u32 v8, v1;
	v1 =	vor.u32 v9, v1  }
0x14e: {  	v61 =	vor.u32 v9, v35;
	v2 =	vld.idx.msk [tilespmem:v2+s22+$0x0], $0xffff  }
0x14f: {  	v4 =	vld.idx.msk [tilespmem:v4+s22+$0x0], $0xffff  }
0x150: {  	v62 =	vor.u32 v10, v34;
	v39 =	vld.idx.msk [tilespmem:v60+s2+$0x0], $0xffff  }
0x151: {  	v63 =	vor.u32 v9, v34;
	v32 =	vld.idx.msk [tilespmem:v59+s2+$0x0], $0xffff  }
0x152: {  	v43 =	vor.u32 v10, v36;
	v1 =	vld.idx.msk [tilespmem:v1+s20+$0x0], $0xffff  }
0x153: {  	v48 =	vor.u32 v9, v36;
	v35 =	vld.idx.msk [tilespmem:v61+s20+$0x0], $0xffff  }
0x154: {  	v44 =	vor.u32 v10, v33;
	v26 =	vld.idx.msk [tilespmem:v26+s22+$0x0], $0xffff  }
0x155: {  	v49 =	vor.u32 v9, v33;
	v40 =	vld.idx.msk [tilespmem:v62+s2+$0x0], $0xffff  }
0x156: {  	v45 =	vor.u32 v10, v30;
	v34 =	vld.idx.msk [tilespmem:v63+s20+$0x0], $0xffff  }
0x157: {  	v50 =	vor.u32 v9, v30;
	v43 =	vld.idx.msk [tilespmem:v43+s2+$0x0], $0xffff;
	v1 =	vadd.f32 v1, v32  }
0x158: {  	v52 =	vor.u32 v10, v27;
	v54 =	vor.u32 v9, v27;
	v36 =	vld.idx.msk [tilespmem:v48+s20+$0x0], $0xffff  }
0x159: {  	v51 =	vadd.f32 v42, v41;
	v53 =	vld.idx.msk [tilespmem:v44+s2+$0x0], $0xffff;
	v55 =	vadd.f32 v35, v39;
	v1 =	vmul.f32 v1, v26  }
0x15a: {  	v56 =	vor.u32 v10, v24;
	v57 =	vor.u32 v9, v24;
	v33 =	vld.idx.msk [tilespmem:v49+s20+$0x0], $0xffff  }
0x15b: {  	v58 =	vld.idx.msk [tilespmem:v45+s2+$0x0], $0xffff;
	v59 =	vadd.f32 v34, v40;
	v4 =	vmul.f32 v55, v4;
	v1 =	vadd.f32 v1, v51  }
0x15c: {  	v60 =	vor.u32 v10, v22;
	v30 =	vld.idx.msk [tilespmem:v50+s20+$0x0], $0xffff;
	v61 =	vor.u32 v9, v22  }
0x15d: {  	v62 =	vld.idx.msk [tilespmem:v52+s2+$0x0], $0xffff;
	v2 =	vmul.f32 v59, v2;
	v1 =	vadd.f32 v4, v1;
	v4 =	vadd.f32 v36, v43  }
0x15e: {  	v63 =	vor.u32 v10, v20;
	v27 =	vld.idx.msk [tilespmem:v54+s20+$0x0], $0xffff;
	v40 =	vor.u32 v9, v20  }
0x15f: {  	v24 =	vld.idx.msk [tilespmem:v57+s20+$0x0], $0xffff;
	v1 =	vadd.f32 v2, v1;
	v2 =	vmul.f32 v4, v38;
	v4 =	vadd.f32 v33, v53  }
0x160: {  	v41 =	vor.u32 v10, v17;
	v42 =	vor.u32 v9, v17;
	v35 =	vld.idx.msk [tilespmem:v56+s2+$0x0], $0xffff  }
0x161: {  	s9 =	sadd.s32 $0xFFFFFFFF, s18;
	v22 =	vld.idx.msk [tilespmem:v61+s20+$0x0], $0xffff;
	v1 =	vadd.f32 v2, v1;
	v2 =	vmul.f32 v4, v37;
	v4 =	vadd.f32 v30, v58  }
0x162: {  	v44 =	vor.u32 v10, v15;
	v45 =	vor.u32 v9, v15;
	v32 =	vld.idx.msk [tilespmem:v60+s2+$0x0], $0xffff;
	v43 =	vmov s9  }
0x163: {  	v26 =	vld.idx.msk [tilespmem:v63+s2+$0x0], $0xffff;
	v1 =	vadd.f32 v2, v1;
	v2 =	vmul.f32 v4, v28;
	v4 =	vadd.f32 v27, v62  }
0x164: {  	v47 =	vor.u32 v10, v14;
	v48 =	vor.u32 v9, v14;
	v20 =	vld.idx.msk [tilespmem:v40+s20+$0x0], $0xffff;
	v46 =	vand.u32 $0x7E, v43  }
0x165: {  	v49 =	vld.idx.msk [tilespmem:v41+s2+$0x0], $0xffff;
	v1 =	vadd.f32 v2, v1;
	v2 =	vmul.f32 v4, v25;
	v4 =	vadd.f32 v24, v35  }
0x166: {  	v52 =	vor.u32 v9, v13;
	v17 =	vld.idx.msk [tilespmem:v42+s20+$0x0], $0xffff;
	v51 =	vor.u32 v10, v13;
	v50 =	vbroadcast v46, $0x0  }
0x167: {  	v54 =	vld.idx.msk [tilespmem:v45+s20+$0x0], $0xffff;
	v1 =	vadd.f32 v2, v1;
	v2 =	vmul.f32 v4, v3;
	v3 =	vadd.f32 v22, v32  }
0x168: {  	v53 =	vld.idx.msk [tilespmem:v44+s2+$0x0], $0xffff;
	v55 =	vor.u32 v9, v50;
	v4 =	vor.u32 v10, v50  }
0x169: {  	v56 =	vld.idx.msk [tilespmem:v47+s2+$0x0], $0xffff;
	v1 =	vadd.f32 v2, v1;
	v2 =	vmul.f32 v3, v23;
	v3 =	vadd.f32 v20, v26  }
0x16a: {  	v57 =	vor.u32 v9, v12;
	v14 =	vld.idx.msk [tilespmem:v48+s20+$0x0], $0xffff;
	v58 =	vor.u32 v8, v50  }
0x16b: {  	v61 =	vld.idx.msk [tilespmem:v52+s20+$0x0], $0xffff;
	v1 =	vadd.f32 v2, v1;
	v2 =	vmul.f32 v3, v21;
	v3 =	vadd.f32 v17, v49  }
0x16c: {  	v60 =	vor.u32 v8, v12;
	v59 =	vld.idx.msk [tilespmem:v51+s2+$0x0], $0xffff  }
0x16d: {  	v62 =	vld.idx.msk [tilespmem:v55+s20+$0x0], $0xffff;
	v1 =	vadd.f32 v2, v1;
	v2 =	vmul.f32 v3, v19;
	v3 =	vadd.f32 v54, v53  }
0x16e: {  	v4 =	vld.idx.msk [tilespmem:v4+s2+$0x0], $0xffff  }
0x16f: {  	v9 =	vld.idx.msk [tilespmem:v57+s20+$0x0], $0xffff;
	v1 =	vadd.f32 v2, v1;
	v2 =	vmul.f32 v3, v18;
	v3 =	vadd.f32 v14, v56  }
0x170: {  	v63 =	vld.idx.msk [tilespmem:v58+s22+$0x0], $0xffff  }
0x171: {  	v1 =	vadd.f32 v2, v1;
	v2 =	vmul.f32 v3, v16;
	v3 =	vadd.f32 v61, v59  }
0x172: {  	v8 =	vld.idx.msk [tilespmem:v60+s22+$0x0], $0xffff  }
0x173: {  	v1 =	vadd.f32 v2, v1;
	v2 =	vmul.f32 v3, v31;
	v3 =	vadd.f32 v62, v4;
	_ =	sdelay $0x1  }
0x174: {  	v1 =	vadd.f32 v2, v1;
	v2 =	vmul.f32 v3, v63;
	v3 =	vadd.f32 v9, v29;
	_ =	sdelay $0x1  }
0x175: {  	v1 =	vadd.f32 v2, v1;
	v2 =	vmul.f32 v3, v8;
	_ =	sdelay $0x1  }
0x176: {  	v1 =	vadd.f32 v2, v1;
	_ =	sdelay $0x1  }
0x177: {  	v1 =	vmul.f32 $1.442695020e+00, v1;
	_ =	sdelay $0x1  }
0x178: {  	(erf) = vpow2.f32 v1;
	_ =	sdelay $0x3  }
0x179: {  	v4 =	vlaneseq.u32  }
0x17a: {  	v2 =	vshll.u32 v7, $0x3;
	v1 =	vor.u32 s5, v4  }
0x17b: {  	v3 =	vand.u32 $0xF, v6;
	v2 =	vand.u32 $0xF80, v2;
	vm0 =	vlt.s32 v1, v5;
	v1 =	vld.idx.msk [tilespmem:v11+s17+$0x0], $0xffff  }
0x17c: {  	v2 =	vor.u32 v3, v2;
	_ =	sdelay $0x1  }
.Ltmp7:
0x17d: {  	v3 =	vpop (erf);
	(pc) =	sbr.rel @p1 .LBB2_10-.Ltmp7, $4  }
0x17e: {  	v3 =	vnsel vm0, $0x0, v3  }
0x17f: {  	v1 =	vmul.f32 v1, v3  }
0x180: {  	[tilespmem:v2+s15+$0x0] =	vst.idx.add.f32.msk vm0, v3  }
0x181: {  	s18 =	simm.s32 $0x10;
	p2 =	por $0x0, $0x0;
	[tilespmem:v2+s16+$0x0] =	vst.idx.add.f32.msk vm0, v1  }
0x182: {  	s4 =	sadd.s32 $0x2, s25  }
0x183: {  	p1 =	sge.s32 s4, s24  }
0x184: {  	s4 =	sshll.u32 @!p1 s4, $0x7  }
0x185: {  	p2 =	sne.s32 @!p1 s26, $0x0;
	s4 =	sshra.s32 @!p1 s4, $0x2  }
0x186: {  	p3 =	por !p2, p1;
	s4 =	sadd.s32 @!p1 $0x16900, s4  }
0x187: {  	s5 =	simm.s32 @!p3 $0x20;
	s9 =	simm.s32 @!p3 $0x1C800;
	p1 =	por p2, p1  }
0x188: {  	[tilespmem:s9], [sflag:$0x5] =	stream.indirect.gather @!p3 [hbm4b:s7+s5], $0x80, s4, s5, $0xb8;
	[tilespmem:$0x1F180] =	vst v63  }
0x189: {  	s25 =	sadd.s32 $0x1, s25;
	s5 =	simm.s32 @!p1 $0x20;
	s9 =	simm.s32 @!p1 $0x1B800  }
0x18a: {  	[tilespmem:s9], [sflag:$0x4] =	stream.indirect.gather @!p1 [hbm4b:s7+s5], $0x80, s4, s5, $0xb8;
	[tilespmem:$0x1F180] =	vst v63  }
0x18b: {  	p1 =	sne.s32 s25, s24  }
.Ltmp8:
0x18c: {  	_ = 	snop;
	(pc) =	sbr.rel @p1 .LBB2_9-.Ltmp8, $1  }
0x18d: {  	_ =	sdelay $0x3  }
.LBB2_14:
0x18e: {  	s4 =	rddreg [dreg:$0xa]  }
0x18f: {  	[hbm4b:s4+s3] =	stream.linear.scatter [tilespmem:s15], [sflag:$0x6], $0xA00, $0x38;
	[tilespmem:$0x1F180] =	vst v63  }
0x190: {  	_ =	swait.ge [sflag:s19], $0xA00  }
0x191: {  	[sflag:s19] =	ssyncset.done $0x0  }
.Ltmp9:
0x192: {  	[sflag:s19] =	ssyncadd.s32 $0xFFFFF600;
	(pc) =	sbr.rel @p0 .LBB2_16-.Ltmp9, $4  }
0x193: {  	[hbm4b:s13+s3] =	stream.linear.scatter [tilespmem:s16], [sflag:$0x6], $0xA00, $0x38;
	[tilespmem:$0x1F180] =	vst v63  }
0x194: {  	_ =	swait.ge [sflag:s19], $0xA00  }
0x195: {  	[sflag:s19] =	ssyncset.done $0x0  }
0x196: {  	[sflag:s19] =	ssyncadd.s32 $0xFFFFF600  }
0x197: {  	v1 =	vld [tilespmem:$0xC580];
	_ =	sdelay $0x5  }
0x198: {  	v2 =	vld [tilespmem:$0xC590];
	_ =	sdelay $0x1  }
0x199: {  	v1 =	vld.idx.msk [tilespmem:v1+s29+$0x0], $0xffff;
	_ =	sdelay $0x3  }
0x19a: {  	v3 =	vld [tilespmem:$0xC5A0]  }
0x19b: {  	[tilespmem:$0x1F000] =	vst v1  }
0x19c: {  	v1 =	vld.idx.msk [tilespmem:v2+s29+$0x0], $0xffff;
	_ =	sdelay $0x3  }
0x19d: {  	v2 =	vld [tilespmem:$0xC5B0]  }
0x19e: {  	[tilespmem:$0x1F010] =	vst v1  }
0x19f: {  	v1 =	vld.idx.msk [tilespmem:v3+s29+$0x0], $0xffff;
	_ =	sdelay $0x3  }
0x1a0: {  	v3 =	vld [tilespmem:$0xC5C0]  }
0x1a1: {  	[tilespmem:$0x1F020] =	vst v1  }
0x1a2: {  	v1 =	vld.idx.msk [tilespmem:v2+s29+$0x0], $0xffff;
	_ =	sdelay $0x3  }
0x1a3: {  	v2 =	vld [tilespmem:$0xC5D0]  }
0x1a4: {  	[tilespmem:$0x1F030] =	vst v1  }
0x1a5: {  	v1 =	vld.idx.msk [tilespmem:v3+s29+$0x0], $0xffff;
	_ =	sdelay $0x3  }
0x1a6: {  	v3 =	vld [tilespmem:$0xC5E0]  }
0x1a7: {  	[tilespmem:$0x1F040] =	vst v1  }
0x1a8: {  	v1 =	vld.idx.msk [tilespmem:v2+s29+$0x0], $0xffff;
	_ =	sdelay $0x3  }
0x1a9: {  	v2 =	vld [tilespmem:$0xC5F0]  }
0x1aa: {  	[tilespmem:$0x1F050] =	vst v1  }
0x1ab: {  	v1 =	vld.idx.msk [tilespmem:v3+s29+$0x0], $0xffff;
	_ =	sdelay $0x3  }
0x1ac: {  	v3 =	vld [tilespmem:$0xC600]  }
0x1ad: {  	[tilespmem:$0x1F060] =	vst v1  }
0x1ae: {  	v1 =	vld.idx.msk [tilespmem:v2+s29+$0x0], $0xffff;
	_ =	sdelay $0x3  }
0x1af: {  	v2 =	vld [tilespmem:$0xC610]  }
0x1b0: {  	[tilespmem:$0x1F070] =	vst v1  }
0x1b1: {  	v1 =	vld.idx.msk [tilespmem:v3+s29+$0x0], $0xffff;
	_ =	sdelay $0x3  }
0x1b2: {  	v3 =	vld [tilespmem:$0xC620]  }
0x1b3: {  	[tilespmem:$0x1F080] =	vst v1  }
0x1b4: {  	v1 =	vld.idx.msk [tilespmem:v2+s29+$0x0], $0xffff;
	_ =	sdelay $0x3  }
0x1b5: {  	v2 =	vld [tilespmem:$0xC630]  }
0x1b6: {  	[tilespmem:$0x1F090] =	vst v1  }
0x1b7: {  	v1 =	vld.idx.msk [tilespmem:v3+s29+$0x0], $0xffff;
	_ =	sdelay $0x3  }
0x1b8: {  	v3 =	vld [tilespmem:$0xC640]  }
0x1b9: {  	[tilespmem:$0x1F0A0] =	vst v1  }
0x1ba: {  	v1 =	vld.idx.msk [tilespmem:v2+s29+$0x0], $0xffff;
	_ =	sdelay $0x3  }
0x1bb: {  	v2 =	vld [tilespmem:$0xC650]  }
0x1bc: {  	[tilespmem:$0x1F0B0] =	vst v1  }
0x1bd: {  	v1 =	vld.idx.msk [tilespmem:v3+s29+$0x0], $0xffff;
	_ =	sdelay $0x3  }
0x1be: {  	v3 =	vld [tilespmem:$0xC660]  }
0x1bf: {  	[tilespmem:$0x1F0C0] =	vst v1  }
0x1c0: {  	v1 =	vld.idx.msk [tilespmem:v2+s29+$0x0], $0xffff;
	_ =	sdelay $0x3  }
0x1c1: {  	v2 =	vld [tilespmem:$0xC670]  }
0x1c2: {  	[tilespmem:$0x1F0D0] =	vst v1  }
0x1c3: {  	v1 =	vld.idx.msk [tilespmem:v3+s29+$0x0], $0xffff;
	_ =	sdelay $0x3  }
0x1c4: {  	v3 =	vld [tilespmem:$0xC680]  }
0x1c5: {  	[tilespmem:$0x1F0E0] =	vst v1  }
0x1c6: {  	v1 =	vld.idx.msk [tilespmem:v2+s29+$0x0], $0xffff;
	_ =	sdelay $0x3  }
0x1c7: {  	v2 =	vld [tilespmem:$0xC690]  }
0x1c8: {  	[tilespmem:$0x1F0F0] =	vst v1  }
0x1c9: {  	v1 =	vld.idx.msk [tilespmem:v3+s29+$0x0], $0xffff;
	_ =	sdelay $0x3  }
0x1ca: {  	v3 =	vld [tilespmem:$0xC6A0]  }
0x1cb: {  	[tilespmem:$0x1F100] =	vst v1  }
0x1cc: {  	v1 =	vld.idx.msk [tilespmem:v2+s29+$0x0], $0xffff;
	_ =	sdelay $0x3  }
0x1cd: {  	v2 =	vld [tilespmem:$0xC6B0]  }
0x1ce: {  	[tilespmem:$0x1F110] =	vst v1  }
0x1cf: {  	v1 =	vld.idx.msk [tilespmem:v3+s29+$0x0], $0xffff;
	_ =	sdelay $0x4  }
0x1d0: {  	[tilespmem:$0x1F120] =	vst v1  }
0x1d1: {  	v1 =	vld.idx.msk [tilespmem:v2+s29+$0x0], $0xffff;
	_ =	sdelay $0x4  }
.Ltmp10:
0x1d2: {  	s4 =	rddreg [dreg:$0x6];
	s5 =	simm.s32 $0x1F000;
	[tilespmem:$0x1F130] =	vst v1;
	(pc) =	sbr.rel .LBB2_16-.Ltmp10, $4  }
0x1d3: {  	[hbm4b:s4+s3] =	stream.linear.scatter [tilespmem:s5], [sflag:$0x6], $0x180, $0x38;
	[tilespmem:$0x1F180] =	vst v63  }
0x1d4: {  	_ =	swait.ge [sflag:s19], $0x180  }
0x1d5: {  	[sflag:s19] =	ssyncset.done $0x0  }
0x1d6: {  	[sflag:s19] =	ssyncadd.s32 $0xFFFFFE80  }
.LBB2_17:
0x1d7: {  	_ =	sfence.sel $0x180000  }
0x1d8: {  	[bflag:$0x0] =	sbarrier.arrive $0xFFFF  }
0x1d9: {  	_ =	strace $0x90000047  }
0x1da: {  	s0 =	stileid.u32;
	[bflag:$0x2] =	sbarrier.arrive $0xFFFF  }
0x1db: {  	p0 =	sne.s32 s0, $0x0;
	s0 =	rddreg [dreg:$0x3]  }
0x1dc: {  	s0 =	sadd.s32 @!p0 $0x100000, s0  }
0x1dd: {  	[sflag:s0] =	ssyncadd.tile.s32 @!p0 $0x1;
	_ =	shalt  }
.Lfunc_end2:
_tile_overlayer_lowered:
.L_overlay_start_2:
0x1de: {  	(tag) =	ssettag $0x2  }
0x1df: {  	s0 =	rddreg [dreg:$0x0];
	s2 =	stileid.u32  }
0x1e0: {  	s1 =	rddreg [dreg:$0x1];
	p0 =	sne.s32 s2, $0x0  }
0x1e1: {  	s3 =	rddreg [dreg:$0x2];
	[bflag:$0x3] =	sbarrier.arrive $0xFFFF;
	s2 =	simm.s32 @!p0 $0x1C06  }
0x1e2: {  	[timem:s3], [sflag:s2] =	dma.local @!p0 [hbm:s0], s1  }
0x1e3: {  	s0 =	simm.s32 @!p0 $0x6  }
0x1e4: {  	_ =	swait.ge @!p0 [sflag:s0], s1  }
0x1e5: {  	s1 =	ssub.s32 @!p0 $0x0, s1;
	[sflag:s0] =	ssyncset.done @!p0 $0x0  }
0x1e6: {  	[sflag:s0] =	ssyncadd.s32 @!p0 s1  }
0x1e7: {  	[bflag:$0x3] =	sbarrier.arrive $0xFFFF  }
0x1e8: {  	_ =	shalt  }

</sc_bundles>
